<compile_context>
chip_gen: v7x
topology: tpu7x:2x2x1
jax: 0.10.2.dev20260603
libtpu: 0.0.44.dev20260713+nightly
codegen_flags: <defaults>
</compile_context>

<pallas_src>
import jax
import jax.numpy as jnp
from jax import lax
from jax.experimental import pallas as pl
from jax.experimental.pallas import tpu as pltpu
from jax.experimental.pallas import tpu_sc as plsc

_DEPTH = 2
_ADDITIONAL = 4
_NSEC = 2 ** _DEPTH
_LANES = 16



def _tc_blend_body(x_ref, ocol_ref, ofull_ref, smp_ref, out_ref):
    half = x_ref.shape[1] // 2

    ofull = ofull_ref[0]
    smp = smp_ref[0]
    mism = jnp.sum(jnp.abs(smp - ofull), axis=1, keepdims=True)
    nmatch = jnp.sum(jnp.where(mism == 0.0, 1.0, 0.0))
    p0 = 1.0 / (1.0 + nmatch)

    w1c = ocol_ref[0] * p0
    w0c = p0 - w1c
    x = x_ref[0]
    out_ref[0, :half, :] = w0c[:half] * x[:half] + w0c[half:] * x[half:]
    out_ref[0, half:, :] = w1c[:half] * x[:half] + w1c[half:] * x[half:]



def _sc_keys_body(keys_hbm, off_hbm, opk_hbm, spk_hbm, kout_hbm,
                  ow_v, sw_v, o0_v, o1_v, k0_v, k1_v, buf_v, sem):
    bi = lax.axis_index("c")
    sid = lax.axis_index("s")
    sec = sid // 4
    j0 = (sid % 4) * 128
    size = keys_hbm.shape[1]
    L = size // _NSEC
    half = L // 2
    base = sec * L + j0
    nwords = size // 32

    copies = [
        pltpu.async_copy(opk_hbm.at[bi], ow_v, sem),
        pltpu.async_copy(spk_hbm.at[bi], sw_v, sem),
        pltpu.async_copy(off_hbm.at[bi, pl.ds(base, 128)], o0_v, sem),
        pltpu.async_copy(off_hbm.at[bi, pl.ds(base + half, 128)], o1_v, sem),
        pltpu.async_copy(keys_hbm.at[bi, pl.ds(base, 128)], k0_v, sem),
        pltpu.async_copy(keys_hbm.at[bi, pl.ds(base + half, 128)], k1_v, sem),
    ]
    for cp in copies:
        cp.wait()

    nmatch = jnp.zeros((_LANES,), jnp.float32)
    for r in range(_ADDITIONAL):
        acc = jnp.zeros((_LANES,), jnp.uint32)
        for c in range(nwords // _LANES):
            ow = ow_v[pl.ds(c * _LANES, _LANES)]
            sw = sw_v[r, pl.ds(c * _LANES, _LANES)]
            acc = acc | (ow ^ sw)
        nz = plsc.all_reduce_population_count(acc != 0)
        nmatch = nmatch + jnp.where(nz == 0, 1.0, 0.0)
    p0 = 1.0 / (1.0 + nmatch)

    zero = jnp.zeros((_LANES,), jnp.float32)
    for i in range(16):
        buf_v[pl.ds(i * _LANES, _LANES)] = zero
    iota = lax.iota(jnp.int32, _LANES)
    for c in range(8):
        lane0 = iota + c * _LANES
        o0 = o0_v[pl.ds(c * _LANES, _LANES)]
        o1 = o1_v[pl.ds(c * _LANES, _LANES)]
        k0 = k0_v[pl.ds(c * _LANES, _LANES)]
        k1 = k1_v[pl.ds(c * _LANES, _LANES)]
        idx0 = o0.astype(jnp.int32) * 128 + lane0
        idx1 = o1.astype(jnp.int32) * 128 + lane0
        plsc.addupdate_scatter(buf_v, [idx0], k0 * p0)
        plsc.addupdate_scatter(buf_v, [idx1], k1 * p0)

    out0 = pltpu.async_copy(buf_v.at[pl.ds(0, 128)],
                            kout_hbm.at[bi, pl.ds(base, 128)], sem)
    out1 = pltpu.async_copy(buf_v.at[pl.ds(128, 128)],
                            kout_hbm.at[bi, pl.ds(base + half, 128)], sem)
    out0.wait()
    out1.wait()


def kernel(input, keys, offset):
    b, s, d = input.shape
    L = s // _NSEC
    sampled = jax.random.randint(jax.random.key(1), (b, _ADDITIONAL, s), 0, 2,
                                 dtype=jnp.int32).astype(jnp.float32)

    ocol = offset.reshape(b, s, 1)
    ofull = offset.reshape(b, 1, s)
    out = pl.pallas_call(
        _tc_blend_body,
        grid=(b, _NSEC),
        in_specs=[
            pl.BlockSpec((1, L, d), lambda bi, si: (bi, si, 0)),
            pl.BlockSpec((1, L, 1), lambda bi, si: (bi, si, 0)),
            pl.BlockSpec((1, 1, s), lambda bi, si: (bi, 0, 0)),
            pl.BlockSpec((1, _ADDITIONAL, s), lambda bi, si: (bi, 0, 0)),
        ],
        out_specs=pl.BlockSpec((1, L, d), lambda bi, si: (bi, si, 0)),
        out_shape=jax.ShapeDtypeStruct((b, s, d), input.dtype),
    )(input, ocol, ofull, sampled)

    nwords = s // 32
    shifts = jnp.uint32(1) << jnp.arange(32, dtype=jnp.uint32)
    opk = jnp.sum(offset.astype(jnp.uint32).reshape(b, nwords, 32) * shifts,
                  axis=-1, dtype=jnp.uint32)
    spk = jnp.sum(
        sampled.astype(jnp.uint32).reshape(b, _ADDITIONAL, nwords, 32) * shifts,
        axis=-1, dtype=jnp.uint32)
    mesh = plsc.VectorSubcoreMesh(core_axis_name="c", subcore_axis_name="s")
    kout = pl.kernel(
        _sc_keys_body,
        out_type=jax.ShapeDtypeStruct((b, s), keys.dtype),
        mesh=mesh,
        scratch_types=[
            pltpu.VMEM((nwords,), jnp.uint32),
            pltpu.VMEM((_ADDITIONAL, nwords), jnp.uint32),
            pltpu.VMEM((128,), jnp.float32),
            pltpu.VMEM((128,), jnp.float32),
            pltpu.VMEM((128,), jnp.float32),
            pltpu.VMEM((128,), jnp.float32),
            pltpu.VMEM((256,), jnp.float32),
            pltpu.SemaphoreType.DMA,
        ],
        compiler_params=pltpu.CompilerParams(needs_layout_passes=False),
    )(keys, offset, opk, spk)

    return out, kout

# --- scband reference (transcript-rebuilt; emitter-appended) ---
"""Pipeline reference for scband-split-88321707475199 (READ-ONLY COPY).

The authoritative reference and input builder live on the scoring server;
editing this copy changes nothing except your own understanding.
"""

import jax, jax.numpy as jnp
import numpy as np

B = 2
SIZE = 4096
DMODEL = 1024
DEPTH = 2
ADDITIONAL = 4


def _split_indices(choices, depth):
    # util.split: butterfly 'split' permutation step. At the given depth the
    # sequence is divided into 2**depth sections of length L; an element at
    # in-section position p is moved to the top (choice=0) or bottom (choice=1)
    # half of its section, keeping relative order: new pos = (p % (L//2)) + choice*(L//2).
    b, n, s = choices.shape
    L = s // (2 ** depth)
    half = L // 2
    pos = jnp.arange(s)
    sec_start = (pos // L) * L
    base = sec_start + (pos % L) % half
    return base[None, None, :] + choices * half


def _duplicates(indices):
    # Mark all-but-one occurrence of duplicate index tuples among the n samples
    # (equivalent to util.unique + sort + adjacent-compare in the original).
    b, n, s = indices.shape
    eq = jnp.all(indices[:, :, None, :] == indices[:, None, :, :], axis=-1)  # (b,n,n)
    lower = jnp.tril(jnp.ones((n, n), dtype=bool), k=-1)
    return jnp.any(eq & lower[None, :, :], axis=2)  # (b,n): True if an earlier equal row exists


def _forward(input, keys, offset, sampled):
    b, s = offset.shape
    # choices: rounded offset (detached by the byte() cast in torch; round has zero grad in jax)
    choices0 = jnp.round(offset).astype(jnp.int32)[:, None, :]
    choices = jnp.concatenate([choices0, sampled], axis=1)  # (b, n, s)
    n = choices.shape[1]
    off_e = jnp.broadcast_to(offset[:, None, :], (b, n, s))
    cb = choices.astype(bool)
    probs = jnp.where(cb, off_e, 1.0 - off_e)
    probs = jnp.prod(probs, axis=2, keepdims=True)          # (b, n, 1)
    probs = jnp.broadcast_to(probs, (b, n, s))
    probs = probs / jnp.sum(probs, axis=1, keepdims=True)   # normalize over samples
    indices = _split_indices(choices, DEPTH)                 # (b, n, s) target rows
    indices = jax.lax.stop_gradient(indices)
    dups = _duplicates(indices)
    probs = jnp.where(dups[:, :, None], 0.0, probs)
    # util.batchmm: per-batch sparse (s x s) matrix @ dense, i.e. scatter-add:
    # output[b, indices[b,n,i]] += probs[b,n,i] * input[b, i]
    bidx = jnp.arange(b)[:, None, None]
    d = input.shape[-1]
    contrib = probs[..., None] * input[:, None, :, :]        # (b, n, s, d)
    output = jnp.zeros((b, s, d), dtype=input.dtype).at[bidx, indices].add(contrib)
    keys_out = jnp.zeros((b, s), dtype=keys.dtype).at[bidx, indices].add(probs * keys[:, None, :])
    return output, keys_out


def setup_inputs(seed: int = 0) -> dict:
    key = jax.random.key(seed)
    k1, k2, k3 = jax.random.split(key, 3)
    return {
        "input": jax.random.normal(k1, (B, SIZE, DMODEL), dtype=jnp.float32),
        "keys": jax.random.normal(k2, (B, SIZE), dtype=jnp.float32),
        # binary offsets (cast to float32) -- keeps the length-4096 probability
        # product exactly representable (uniform offsets underflow to 0 and NaN
        # after normalization, in the torch original as well)
        "offset": jax.random.randint(k3, (B, SIZE), 0, 2).astype(jnp.float32),
    }


def reference(input, keys, offset):
    b, s = offset.shape
    # util.sample_offsets: `additional` uniform Bernoulli(0.5) choice vectors (train=True path)
    sampled = jax.random.randint(jax.random.key(1), (b, ADDITIONAL, s), 0, 2, dtype=jnp.int32)
    return _forward(input, keys, offset, sampled)

if __name__ == "__main__":
    import jax
    _d = setup_inputs()
    print(jax.jit(kernel)(*tuple(_d.values())))

</pallas_src>

<mosaic_0001>
#map = affine_map<(d0, d1) -> (0, 0)>
#map1 = affine_map<(d0, d1) -> (0, 0, 0)>
module attributes {stable_mosaic.version = 14 : i64} {
  func.func @_sc_keys_body(%arg0: i32, %arg1: i32, %arg2: memref<2x4096xf32, #tpu.memory_space<hbm>>, %arg3: memref<2x4096xf32, #tpu.memory_space<hbm>>, %arg4: memref<2x128xi32, #tpu.memory_space<hbm>>, %arg5: memref<2x4x128xi32, #tpu.memory_space<hbm>>, %arg6: memref<2x4096xf32, #tpu.memory_space<hbm>>, %arg7: memref<128xi32, #tpu.memory_space<vmem>>, %arg8: memref<4x128xi32, #tpu.memory_space<vmem>>, %arg9: memref<128xf32, #tpu.memory_space<vmem>>, %arg10: memref<128xf32, #tpu.memory_space<vmem>>, %arg11: memref<128xf32, #tpu.memory_space<vmem>>, %arg12: memref<128xf32, #tpu.memory_space<vmem>>, %arg13: memref<256xf32, #tpu.memory_space<vmem>>, %arg14: memref<!tpu.dma_semaphore, #tpu.memory_space<semaphore_mem>>) attributes {dimension_semantics = [#tpu.dimension_semantics<core_parallel>, #tpu.dimension_semantics<subcore_parallel>], iteration_bounds = array<i64: 2, 16>, scalar_prefetch = 0 : i64, scratch_operands = 8 : i64, tpu.core_type = #tpu.core_type<sc_vector_subcore>, window_params = [{transform_indices = #map}, {transform_indices = #map}, {transform_indices = #map}, {transform_indices = #map1}, {transform_indices = #map}]} {
    %jit3A = arith.constant 4 : i32
    %div3A = arith.divsi %arg1, %jit3A : i32
    %sign3A = arith.constant 0 : i32
    %sign3A_0 = arith.cmpi sgt, %arg1, %sign3A : i32
    %sign3A_1 = arith.extui %sign3A_0 : i1 to i32
    %sign3A_2 = arith.constant 0 : i32
    %sign3A_3 = arith.cmpi slt, %arg1, %sign3A_2 : i32
    %sign3A_4 = arith.extui %sign3A_3 : i1 to i32
    %sign3A_5 = arith.subi %sign3A_1, %sign3A_4 : i32
    %sign3A_6 = arith.constant 0 : i32
    %sign3A_7 = arith.cmpi sgt, %jit3A, %sign3A_6 : i32
    %sign3A_8 = arith.extui %sign3A_7 : i1 to i32
    %sign3A_9 = arith.constant 0 : i32
    %sign3A_10 = arith.cmpi slt, %jit3A, %sign3A_9 : i32
    %sign3A_11 = arith.extui %sign3A_10 : i1 to i32
    %sign3A_12 = arith.subi %sign3A_8, %sign3A_11 : i32
    %ne3A = arith.cmpi ne, %sign3A_5, %sign3A_12 : i32
    %rem3A = arith.remsi %arg1, %jit3A : i32
    %ne3A_13 = arith.constant 0 : i32
    %ne3A_14 = arith.cmpi ne, %rem3A, %ne3A_13 : i32
    %and3A = arith.andi %ne3A, %ne3A_14 : i1
    %sub3A = arith.constant 1 : i32
    %sub3A_15 = arith.subi %div3A, %sub3A : i32
    %select_n3A = arith.select %and3A, %sub3A_15, %div3A : i32
    %jit3A_16 = arith.constant 4 : i32
    %eq3A = arith.constant 0 : i32
    %eq3A_17 = arith.cmpi eq, %jit3A_16, %eq3A : i32
    %jit3A_18 = arith.constant 1 : i32
    %select_n3A_19 = arith.select %eq3A_17, %jit3A_18, %jit3A_16 : i32
    %rem3A_20 = arith.remsi %arg1, %select_n3A_19 : i32
    %ne3A_21 = arith.constant 0 : i32
    %ne3A_22 = arith.cmpi ne, %rem3A_20, %ne3A_21 : i32
    %lt3A = arith.constant 0 : i32
    %lt3A_23 = arith.cmpi slt, %rem3A_20, %lt3A : i32
    %lt3A_24 = arith.constant 0 : i32
    %lt3A_25 = arith.cmpi slt, %select_n3A_19, %lt3A_24 : i32
    %ne3A_26 = arith.xori %lt3A_23, %lt3A_25 : i1
    %and3A_27 = arith.andi %ne3A_26, %ne3A_22 : i1
    %add3A = arith.addi %rem3A_20, %select_n3A_19 : i32
    %select_n3A_28 = arith.select %and3A_27, %add3A, %rem3A_20 : i32
    %mul3A = arith.constant 128 : i32
    %mul3A_29 = arith.muli %select_n3A_28, %mul3A : i32
    %mul3A_30 = arith.constant 1024 : i32
    %mul3A_31 = arith.muli %select_n3A, %mul3A_30 : i32
    %add3A_32 = arith.addi %mul3A_31, %mul3A_29 : i32
    %dma_start3A = arith.constant 0 : i32
    %dma_start3A_33 = tpu.memref_slice %arg4[%arg0, %dma_start3A] : memref<2x128xi32, #tpu.memory_space<hbm>> -> memref<1x128xi32, #tpu.memory_space<hbm>>
    %dma_start3A_34 = tpu.memref_squeeze %dma_start3A_33 : memref<1x128xi32, #tpu.memory_space<hbm>> -> memref<128xi32, #tpu.memory_space<hbm>>
    %dma_start3A_35 = arith.constant 0 : i32
    %dma_start3A_36 = tpu.memref_slice %arg4[%arg0, %dma_start3A_35] : memref<2x128xi32, #tpu.memory_space<hbm>> -> memref<1x128xi32, #tpu.memory_space<hbm>>
    %dma_start3A_37 = tpu.memref_squeeze %dma_start3A_36 : memref<1x128xi32, #tpu.memory_space<hbm>> -> memref<128xi32, #tpu.memory_space<hbm>>
    tpu.enqueue_dma source(%dma_start3A_37 : memref<128xi32, #tpu.memory_space<hbm>>) target(%arg7 : memref<128xi32, #tpu.memory_space<vmem>>) target_semaphore(%arg14 : memref<!tpu.dma_semaphore, #tpu.memory_space<semaphore_mem>>)
    %dma_start3A_38 = arith.constant 0 : i32
    %dma_start3A_39 = arith.constant 0 : i32
    %dma_start3A_40 = tpu.memref_slice %arg5[%arg0, %dma_start3A_38, %dma_start3A_39] : memref<2x4x128xi32, #tpu.memory_space<hbm>> -> memref<1x4x128xi32, #tpu.memory_space<hbm>>
    %dma_start3A_41 = tpu.memref_squeeze %dma_start3A_40 : memref<1x4x128xi32, #tpu.memory_space<hbm>> -> memref<4x128xi32, #tpu.memory_space<hbm>>
    %dma_start3A_42 = arith.constant 0 : i32
    %dma_start3A_43 = arith.constant 0 : i32
    %dma_start3A_44 = tpu.memref_slice %arg5[%arg0, %dma_start3A_42, %dma_start3A_43] : memref<2x4x128xi32, #tpu.memory_space<hbm>> -> memref<1x4x128xi32, #tpu.memory_space<hbm>>
    %dma_start3A_45 = tpu.memref_squeeze %dma_start3A_44 : memref<1x4x128xi32, #tpu.memory_space<hbm>> -> memref<4x128xi32, #tpu.memory_space<hbm>>
    tpu.enqueue_dma source(%dma_start3A_45 : memref<4x128xi32, #tpu.memory_space<hbm>>) target(%arg8 : memref<4x128xi32, #tpu.memory_space<vmem>>) target_semaphore(%arg14 : memref<!tpu.dma_semaphore, #tpu.memory_space<semaphore_mem>>)
    %dma_start3A_46 = tpu.memref_slice %arg3[%arg0, %add3A_32] : memref<2x4096xf32, #tpu.memory_space<hbm>> -> memref<1x128xf32, #tpu.memory_space<hbm>>
    %dma_start3A_47 = tpu.memref_squeeze %dma_start3A_46 : memref<1x128xf32, #tpu.memory_space<hbm>> -> memref<128xf32, #tpu.memory_space<hbm>>
    %dma_start3A_48 = tpu.memref_slice %arg3[%arg0, %add3A_32] : memref<2x4096xf32, #tpu.memory_space<hbm>> -> memref<1x128xf32, #tpu.memory_space<hbm>>
    %dma_start3A_49 = tpu.memref_squeeze %dma_start3A_48 : memref<1x128xf32, #tpu.memory_space<hbm>> -> memref<128xf32, #tpu.memory_space<hbm>>
    tpu.enqueue_dma source(%dma_start3A_49 : memref<128xf32, #tpu.memory_space<hbm>>) target(%arg9 : memref<128xf32, #tpu.memory_space<vmem>>) target_semaphore(%arg14 : memref<!tpu.dma_semaphore, #tpu.memory_space<semaphore_mem>>)
    %add3A_50 = arith.constant 512 : i32
    %add3A_51 = arith.addi %add3A_32, %add3A_50 : i32
    %dma_start3A_52 = tpu.memref_slice %arg3[%arg0, %add3A_51] : memref<2x4096xf32, #tpu.memory_space<hbm>> -> memref<1x128xf32, #tpu.memory_space<hbm>>
    %dma_start3A_53 = tpu.memref_squeeze %dma_start3A_52 : memref<1x128xf32, #tpu.memory_space<hbm>> -> memref<128xf32, #tpu.memory_space<hbm>>
    %dma_start3A_54 = tpu.memref_slice %arg3[%arg0, %add3A_51] : memref<2x4096xf32, #tpu.memory_space<hbm>> -> memref<1x128xf32, #tpu.memory_space<hbm>>
    %dma_start3A_55 = tpu.memref_squeeze %dma_start3A_54 : memref<1x128xf32, #tpu.memory_space<hbm>> -> memref<128xf32, #tpu.memory_space<hbm>>
    tpu.enqueue_dma source(%dma_start3A_55 : memref<128xf32, #tpu.memory_space<hbm>>) target(%arg10 : memref<128xf32, #tpu.memory_space<vmem>>) target_semaphore(%arg14 : memref<!tpu.dma_semaphore, #tpu.memory_space<semaphore_mem>>)
    %dma_start3A_56 = tpu.memref_slice %arg2[%arg0, %add3A_32] : memref<2x4096xf32, #tpu.memory_space<hbm>> -> memref<1x128xf32, #tpu.memory_space<hbm>>
    %dma_start3A_57 = tpu.memref_squeeze %dma_start3A_56 : memref<1x128xf32, #tpu.memory_space<hbm>> -> memref<128xf32, #tpu.memory_space<hbm>>
    %dma_start3A_58 = tpu.memref_slice %arg2[%arg0, %add3A_32] : memref<2x4096xf32, #tpu.memory_space<hbm>> -> memref<1x128xf32, #tpu.memory_space<hbm>>
    %dma_start3A_59 = tpu.memref_squeeze %dma_start3A_58 : memref<1x128xf32, #tpu.memory_space<hbm>> -> memref<128xf32, #tpu.memory_space<hbm>>
    tpu.enqueue_dma source(%dma_start3A_59 : memref<128xf32, #tpu.memory_space<hbm>>) target(%arg11 : memref<128xf32, #tpu.memory_space<vmem>>) target_semaphore(%arg14 : memref<!tpu.dma_semaphore, #tpu.memory_space<semaphore_mem>>)
    %add3A_60 = arith.constant 512 : i32
    %add3A_61 = arith.addi %add3A_32, %add3A_60 : i32
    %dma_start3A_62 = tpu.memref_slice %arg2[%arg0, %add3A_61] : memref<2x4096xf32, #tpu.memory_space<hbm>> -> memref<1x128xf32, #tpu.memory_space<hbm>>
    %dma_start3A_63 = tpu.memref_squeeze %dma_start3A_62 : memref<1x128xf32, #tpu.memory_space<hbm>> -> memref<128xf32, #tpu.memory_space<hbm>>
    %dma_start3A_64 = tpu.memref_slice %arg2[%arg0, %add3A_61] : memref<2x4096xf32, #tpu.memory_space<hbm>> -> memref<1x128xf32, #tpu.memory_space<hbm>>
    %dma_start3A_65 = tpu.memref_squeeze %dma_start3A_64 : memref<1x128xf32, #tpu.memory_space<hbm>> -> memref<128xf32, #tpu.memory_space<hbm>>
    tpu.enqueue_dma source(%dma_start3A_65 : memref<128xf32, #tpu.memory_space<hbm>>) target(%arg12 : memref<128xf32, #tpu.memory_space<vmem>>) target_semaphore(%arg14 : memref<!tpu.dma_semaphore, #tpu.memory_space<semaphore_mem>>)
    %dma_wait3A = arith.constant 0 : i32
    %dma_wait3A_66 = tpu.memref_slice %arg4[%arg0, %dma_wait3A] : memref<2x128xi32, #tpu.memory_space<hbm>> -> memref<1x128xi32, #tpu.memory_space<hbm>>
    %dma_wait3A_67 = tpu.memref_squeeze %dma_wait3A_66 : memref<1x128xi32, #tpu.memory_space<hbm>> -> memref<128xi32, #tpu.memory_space<hbm>>
    %dma_wait3A_68 = arith.constant 0 : i32
    %dma_wait3A_69 = tpu.memref_slice %arg4[%arg0, %dma_wait3A_68] : memref<2x128xi32, #tpu.memory_space<hbm>> -> memref<1x128xi32, #tpu.memory_space<hbm>>
    %dma_wait3A_70 = tpu.memref_squeeze %dma_wait3A_69 : memref<1x128xi32, #tpu.memory_space<hbm>> -> memref<128xi32, #tpu.memory_space<hbm>>
    tpu.wait_dma2 semaphore(%arg14 : memref<!tpu.dma_semaphore, #tpu.memory_space<semaphore_mem>>) src(%dma_wait3A_70 : memref<128xi32, #tpu.memory_space<hbm>>) dst(%arg7 : memref<128xi32, #tpu.memory_space<vmem>>)
    %dma_wait3A_71 = arith.constant 0 : i32
    %dma_wait3A_72 = arith.constant 0 : i32
    %dma_wait3A_73 = tpu.memref_slice %arg5[%arg0, %dma_wait3A_71, %dma_wait3A_72] : memref<2x4x128xi32, #tpu.memory_space<hbm>> -> memref<1x4x128xi32, #tpu.memory_space<hbm>>
    %dma_wait3A_74 = tpu.memref_squeeze %dma_wait3A_73 : memref<1x4x128xi32, #tpu.memory_space<hbm>> -> memref<4x128xi32, #tpu.memory_space<hbm>>
    %dma_wait3A_75 = arith.constant 0 : i32
    %dma_wait3A_76 = arith.constant 0 : i32
    %dma_wait3A_77 = tpu.memref_slice %arg5[%arg0, %dma_wait3A_75, %dma_wait3A_76] : memref<2x4x128xi32, #tpu.memory_space<hbm>> -> memref<1x4x128xi32, #tpu.memory_space<hbm>>
    %dma_wait3A_78 = tpu.memref_squeeze %dma_wait3A_77 : memref<1x4x128xi32, #tpu.memory_space<hbm>> -> memref<4x128xi32, #tpu.memory_space<hbm>>
    tpu.wait_dma2 semaphore(%arg14 : memref<!tpu.dma_semaphore, #tpu.memory_space<semaphore_mem>>) src(%dma_wait3A_78 : memref<4x128xi32, #tpu.memory_space<hbm>>) dst(%arg8 : memref<4x128xi32, #tpu.memory_space<vmem>>)
    %dma_wait3A_79 = tpu.memref_slice %arg3[%arg0, %add3A_32] : memref<2x4096xf32, #tpu.memory_space<hbm>> -> memref<1x128xf32, #tpu.memory_space<hbm>>
    %dma_wait3A_80 = tpu.memref_squeeze %dma_wait3A_79 : memref<1x128xf32, #tpu.memory_space<hbm>> -> memref<128xf32, #tpu.memory_space<hbm>>
    %dma_wait3A_81 = tpu.memref_slice %arg3[%arg0, %add3A_32] : memref<2x4096xf32, #tpu.memory_space<hbm>> -> memref<1x128xf32, #tpu.memory_space<hbm>>
    %dma_wait3A_82 = tpu.memref_squeeze %dma_wait3A_81 : memref<1x128xf32, #tpu.memory_space<hbm>> -> memref<128xf32, #tpu.memory_space<hbm>>
    tpu.wait_dma2 semaphore(%arg14 : memref<!tpu.dma_semaphore, #tpu.memory_space<semaphore_mem>>) src(%dma_wait3A_82 : memref<128xf32, #tpu.memory_space<hbm>>) dst(%arg9 : memref<128xf32, #tpu.memory_space<vmem>>)
    %dma_wait3A_83 = tpu.memref_slice %arg3[%arg0, %add3A_51] : memref<2x4096xf32, #tpu.memory_space<hbm>> -> memref<1x128xf32, #tpu.memory_space<hbm>>
    %dma_wait3A_84 = tpu.memref_squeeze %dma_wait3A_83 : memref<1x128xf32, #tpu.memory_space<hbm>> -> memref<128xf32, #tpu.memory_space<hbm>>
    %dma_wait3A_85 = tpu.memref_slice %arg3[%arg0, %add3A_51] : memref<2x4096xf32, #tpu.memory_space<hbm>> -> memref<1x128xf32, #tpu.memory_space<hbm>>
    %dma_wait3A_86 = tpu.memref_squeeze %dma_wait3A_85 : memref<1x128xf32, #tpu.memory_space<hbm>> -> memref<128xf32, #tpu.memory_space<hbm>>
    tpu.wait_dma2 semaphore(%arg14 : memref<!tpu.dma_semaphore, #tpu.memory_space<semaphore_mem>>) src(%dma_wait3A_86 : memref<128xf32, #tpu.memory_space<hbm>>) dst(%arg10 : memref<128xf32, #tpu.memory_space<vmem>>)
    %dma_wait3A_87 = tpu.memref_slice %arg2[%arg0, %add3A_32] : memref<2x4096xf32, #tpu.memory_space<hbm>> -> memref<1x128xf32, #tpu.memory_space<hbm>>
    %dma_wait3A_88 = tpu.memref_squeeze %dma_wait3A_87 : memref<1x128xf32, #tpu.memory_space<hbm>> -> memref<128xf32, #tpu.memory_space<hbm>>
    %dma_wait3A_89 = tpu.memref_slice %arg2[%arg0, %add3A_32] : memref<2x4096xf32, #tpu.memory_space<hbm>> -> memref<1x128xf32, #tpu.memory_space<hbm>>
    %dma_wait3A_90 = tpu.memref_squeeze %dma_wait3A_89 : memref<1x128xf32, #tpu.memory_space<hbm>> -> memref<128xf32, #tpu.memory_space<hbm>>
    tpu.wait_dma2 semaphore(%arg14 : memref<!tpu.dma_semaphore, #tpu.memory_space<semaphore_mem>>) src(%dma_wait3A_90 : memref<128xf32, #tpu.memory_space<hbm>>) dst(%arg11 : memref<128xf32, #tpu.memory_space<vmem>>)
    %dma_wait3A_91 = tpu.memref_slice %arg2[%arg0, %add3A_61] : memref<2x4096xf32, #tpu.memory_space<hbm>> -> memref<1x128xf32, #tpu.memory_space<hbm>>
    %dma_wait3A_92 = tpu.memref_squeeze %dma_wait3A_91 : memref<1x128xf32, #tpu.memory_space<hbm>> -> memref<128xf32, #tpu.memory_space<hbm>>
    %dma_wait3A_93 = tpu.memref_slice %arg2[%arg0, %add3A_61] : memref<2x4096xf32, #tpu.memory_space<hbm>> -> memref<1x128xf32, #tpu.memory_space<hbm>>
    %dma_wait3A_94 = tpu.memref_squeeze %dma_wait3A_93 : memref<1x128xf32, #tpu.memory_space<hbm>> -> memref<128xf32, #tpu.memory_space<hbm>>
    tpu.wait_dma2 semaphore(%arg14 : memref<!tpu.dma_semaphore, #tpu.memory_space<semaphore_mem>>) src(%dma_wait3A_94 : memref<128xf32, #tpu.memory_space<hbm>>) dst(%arg12 : memref<128xf32, #tpu.memory_space<vmem>>)
    %broadcast_in_dim3A = arith.constant 0.000000e+00 : f32
    %broadcast_in_dim3A_95 = vector.broadcast %broadcast_in_dim3A : f32 to vector<16xf32>
    %broadcast_in_dim3A_96 = arith.constant 0 : i32
    %broadcast_in_dim3A_97 = vector.broadcast %broadcast_in_dim3A_96 : i32 to vector<16xi32>
    %get3A = arith.constant 0 : index
    %get3A_98 = tpu.vector_load %arg7[%get3A] {strides = array<i32>} : memref<128xi32, #tpu.memory_space<vmem>>, vector<16xi32>,
    %get3A_99 = arith.constant 0 : i32
    %get3A_100 = arith.index_cast %get3A_99 : i32 to index
    %get3A_101 = arith.constant 0 : index
    %get3A_102 = tpu.vector_load %arg8[%get3A_100, %get3A_101] {strides = array<i32>} : memref<4x128xi32, #tpu.memory_space<vmem>>, vector<16xi32>,
    %xor3A = arith.xori %get3A_98, %get3A_102 : vector<16xi32>
    %or3A = arith.ori %broadcast_in_dim3A_97, %xor3A : vector<16xi32>
    %get3A_103 = arith.constant 16 : index
    %get3A_104 = tpu.vector_load %arg7[%get3A_103] {strides = array<i32>} : memref<128xi32, #tpu.memory_space<vmem>>, vector<16xi32>,
    %get3A_105 = arith.constant 0 : i32
    %get3A_106 = arith.index_cast %get3A_105 : i32 to index
    %get3A_107 = arith.constant 16 : index
    %get3A_108 = tpu.vector_load %arg8[%get3A_106, %get3A_107] {strides = array<i32>} : memref<4x128xi32, #tpu.memory_space<vmem>>, vector<16xi32>,
    %xor3A_109 = arith.xori %get3A_104, %get3A_108 : vector<16xi32>
    %or3A_110 = arith.ori %or3A, %xor3A_109 : vector<16xi32>
    %get3A_111 = arith.constant 32 : index
    %get3A_112 = tpu.vector_load %arg7[%get3A_111] {strides = array<i32>} : memref<128xi32, #tpu.memory_space<vmem>>, vector<16xi32>,
    %get3A_113 = arith.constant 0 : i32
    %get3A_114 = arith.index_cast %get3A_113 : i32 to index
    %get3A_115 = arith.constant 32 : index
    %get3A_116 = tpu.vector_load %arg8[%get3A_114, %get3A_115] {strides = array<i32>} : memref<4x128xi32, #tpu.memory_space<vmem>>, vector<16xi32>,
    %xor3A_117 = arith.xori %get3A_112, %get3A_116 : vector<16xi32>
    %or3A_118 = arith.ori %or3A_110, %xor3A_117 : vector<16xi32>
    %get3A_119 = arith.constant 48 : index
    %get3A_120 = tpu.vector_load %arg7[%get3A_119] {strides = array<i32>} : memref<128xi32, #tpu.memory_space<vmem>>, vector<16xi32>,
    %get3A_121 = arith.constant 0 : i32
    %get3A_122 = arith.index_cast %get3A_121 : i32 to index
    %get3A_123 = arith.constant 48 : index
    %get3A_124 = tpu.vector_load %arg8[%get3A_122, %get3A_123] {strides = array<i32>} : memref<4x128xi32, #tpu.memory_space<vmem>>, vector<16xi32>,
    %xor3A_125 = arith.xori %get3A_120, %get3A_124 : vector<16xi32>
    %or3A_126 = arith.ori %or3A_118, %xor3A_125 : vector<16xi32>
    %get3A_127 = arith.constant 64 : index
    %get3A_128 = tpu.vector_load %arg7[%get3A_127] {strides = array<i32>} : memref<128xi32, #tpu.memory_space<vmem>>, vector<16xi32>,
    %get3A_129 = arith.constant 0 : i32
    %get3A_130 = arith.index_cast %get3A_129 : i32 to index
    %get3A_131 = arith.constant 64 : index
    %get3A_132 = tpu.vector_load %arg8[%get3A_130, %get3A_131] {strides = array<i32>} : memref<4x128xi32, #tpu.memory_space<vmem>>, vector<16xi32>,
    %xor3A_133 = arith.xori %get3A_128, %get3A_132 : vector<16xi32>
    %or3A_134 = arith.ori %or3A_126, %xor3A_133 : vector<16xi32>
    %get3A_135 = arith.constant 80 : index
    %get3A_136 = tpu.vector_load %arg7[%get3A_135] {strides = array<i32>} : memref<128xi32, #tpu.memory_space<vmem>>, vector<16xi32>,
    %get3A_137 = arith.constant 0 : i32
    %get3A_138 = arith.index_cast %get3A_137 : i32 to index
    %get3A_139 = arith.constant 80 : index
    %get3A_140 = tpu.vector_load %arg8[%get3A_138, %get3A_139] {strides = array<i32>} : memref<4x128xi32, #tpu.memory_space<vmem>>, vector<16xi32>,
    %xor3A_141 = arith.xori %get3A_136, %get3A_140 : vector<16xi32>
    %or3A_142 = arith.ori %or3A_134, %xor3A_141 : vector<16xi32>
    %get3A_143 = arith.constant 96 : index
    %get3A_144 = tpu.vector_load %arg7[%get3A_143] {strides = array<i32>} : memref<128xi32, #tpu.memory_space<vmem>>, vector<16xi32>,
    %get3A_145 = arith.constant 0 : i32
    %get3A_146 = arith.index_cast %get3A_145 : i32 to index
    %get3A_147 = arith.constant 96 : index
    %get3A_148 = tpu.vector_load %arg8[%get3A_146, %get3A_147] {strides = array<i32>} : memref<4x128xi32, #tpu.memory_space<vmem>>, vector<16xi32>,
    %xor3A_149 = arith.xori %get3A_144, %get3A_148 : vector<16xi32>
    %or3A_150 = arith.ori %or3A_142, %xor3A_149 : vector<16xi32>
    %get3A_151 = arith.constant 112 : index
    %get3A_152 = tpu.vector_load %arg7[%get3A_151] {strides = array<i32>} : memref<128xi32, #tpu.memory_space<vmem>>, vector<16xi32>,
    %get3A_153 = arith.constant 0 : i32
    %get3A_154 = arith.index_cast %get3A_153 : i32 to index
    %get3A_155 = arith.constant 112 : index
    %get3A_156 = tpu.vector_load %arg8[%get3A_154, %get3A_155] {strides = array<i32>} : memref<4x128xi32, #tpu.memory_space<vmem>>, vector<16xi32>,
    %xor3A_157 = arith.xori %get3A_152, %get3A_156 : vector<16xi32>
    %or3A_158 = arith.ori %or3A_150, %xor3A_157 : vector<16xi32>
    %ne3A_159 = arith.constant 0 : i32
    %ne3A_160 = vector.broadcast %ne3A_159 : i32 to vector<16xi32>
    %ne3A_161 = arith.cmpi ne, %or3A_158, %ne3A_160 : vector<16xi32>
    %all_reduce_population_count3A = tpu.all_reduce %ne3A_161 {dim = 0 : i64, kind = #tpu.reduction_kind<sum>} : vector<16xi1> -> vector<16xi32>
    %eq3A_162 = arith.constant 0 : i32
    %eq3A_163 = vector.broadcast %eq3A_162 : i32 to vector<16xi32>
    %eq3A_164 = arith.cmpi eq, %all_reduce_population_count3A, %eq3A_163 : vector<16xi32>
    %jit3A_165 = arith.constant 1.000000e+00 : f32
    %jit3A_166 = arith.constant 0.000000e+00 : f32
    %broadcast_in_dim3A_167 = vector.broadcast %jit3A_165 : f32 to vector<16xf32>
    %broadcast_in_dim3A_168 = vector.broadcast %jit3A_166 : f32 to vector<16xf32>
    %select_n3A_169 = arith.select %eq3A_164, %broadcast_in_dim3A_167, %broadcast_in_dim3A_168 : vector<16xi1>, vector<16xf32>
    %add3A_170 = arith.addf %broadcast_in_dim3A_95, %select_n3A_169 : vector<16xf32>
    %broadcast_in_dim3A_171 = arith.constant 0 : i32
    %broadcast_in_dim3A_172 = vector.broadcast %broadcast_in_dim3A_171 : i32 to vector<16xi32>
    %get3A_173 = arith.constant 0 : index
    %get3A_174 = tpu.vector_load %arg7[%get3A_173] {strides = array<i32>} : memref<128xi32, #tpu.memory_space<vmem>>, vector<16xi32>,
    %get3A_175 = arith.constant 1 : i32
    %get3A_176 = arith.index_cast %get3A_175 : i32 to index
    %get3A_177 = arith.constant 0 : index
    %get3A_178 = tpu.vector_load %arg8[%get3A_176, %get3A_177] {strides = array<i32>} : memref<4x128xi32, #tpu.memory_space<vmem>>, vector<16xi32>,
    %xor3A_179 = arith.xori %get3A_174, %get3A_178 : vector<16xi32>
    %or3A_180 = arith.ori %broadcast_in_dim3A_172, %xor3A_179 : vector<16xi32>
    %get3A_181 = arith.constant 16 : index
    %get3A_182 = tpu.vector_load %arg7[%get3A_181] {strides = array<i32>} : memref<128xi32, #tpu.memory_space<vmem>>, vector<16xi32>,
    %get3A_183 = arith.constant 1 : i32
    %get3A_184 = arith.index_cast %get3A_183 : i32 to index
    %get3A_185 = arith.constant 16 : index
    %get3A_186 = tpu.vector_load %arg8[%get3A_184, %get3A_185] {strides = array<i32>} : memref<4x128xi32, #tpu.memory_space<vmem>>, vector<16xi32>,
    %xor3A_187 = arith.xori %get3A_182, %get3A_186 : vector<16xi32>
    %or3A_188 = arith.ori %or3A_180, %xor3A_187 : vector<16xi32>
    %get3A_189 = arith.constant 32 : index
    %get3A_190 = tpu.vector_load %arg7[%get3A_189] {strides = array<i32>} : memref<128xi32, #tpu.memory_space<vmem>>, vector<16xi32>,
    %get3A_191 = arith.constant 1 : i32
    %get3A_192 = arith.index_cast %get3A_191 : i32 to index
    %get3A_193 = arith.constant 32 : index
    %get3A_194 = tpu.vector_load %arg8[%get3A_192, %get3A_193] {strides = array<i32>} : memref<4x128xi32, #tpu.memory_space<vmem>>, vector<16xi32>,
    %xor3A_195 = arith.xori %get3A_190, %get3A_194 : vector<16xi32>
    %or3A_196 = arith.ori %or3A_188, %xor3A_195 : vector<16xi32>
    %get3A_197 = arith.constant 48 : index
    %get3A_198 = tpu.vector_load %arg7[%get3A_197] {strides = array<i32>} : memref<128xi32, #tpu.memory_space<vmem>>, vector<16xi32>,
    %get3A_199 = arith.constant 1 : i32
    %get3A_200 = arith.index_cast %get3A_199 : i32 to index
    %get3A_201 = arith.constant 48 : index
    %get3A_202 = tpu.vector_load %arg8[%get3A_200, %get3A_201] {strides = array<i32>} : memref<4x128xi32, #tpu.memory_space<vmem>>, vector<16xi32>,
    %xor3A_203 = arith.xori %get3A_198, %get3A_202 : vector<16xi32>
    %or3A_204 = arith.ori %or3A_196, %xor3A_203 : vector<16xi32>
    %get3A_205 = arith.constant 64 : index
    %get3A_206 = tpu.vector_load %arg7[%get3A_205] {strides = array<i32>} : memref<128xi32, #tpu.memory_space<vmem>>, vector<16xi32>,
    %get3A_207 = arith.constant 1 : i32
    %get3A_208 = arith.index_cast %get3A_207 : i32 to index
    %get3A_209 = arith.constant 64 : index
    %get3A_210 = tpu.vector_load %arg8[%get3A_208, %get3A_209] {strides = array<i32>} : memref<4x128xi32, #tpu.memory_space<vmem>>, vector<16xi32>,
    %xor3A_211 = arith.xori %get3A_206, %get3A_210 : vector<16xi32>
    %or3A_212 = arith.ori %or3A_204, %xor3A_211 : vector<16xi32>
    %get3A_213 = arith.constant 80 : index
    %get3A_214 = tpu.vector_load %arg7[%get3A_213] {strides = array<i32>} : memref<128xi32, #tpu.memory_space<vmem>>, vector<16xi32>,
    %get3A_215 = arith.constant 1 : i32
    %get3A_216 = arith.index_cast %get3A_215 : i32 to index
    %get3A_217 = arith.constant 80 : index
    %get3A_218 = tpu.vector_load %arg8[%get3A_216, %get3A_217] {strides = array<i32>} : memref<4x128xi32, #tpu.memory_space<vmem>>, vector<16xi32>,
    %xor3A_219 = arith.xori %get3A_214, %get3A_218 : vector<16xi32>
    %or3A_220 = arith.ori %or3A_212, %xor3A_219 : vector<16xi32>
    %get3A_221 = arith.constant 96 : index
    %get3A_222 = tpu.vector_load %arg7[%get3A_221] {strides = array<i32>} : memref<128xi32, #tpu.memory_space<vmem>>, vector<16xi32>,
    %get3A_223 = arith.constant 1 : i32
    %get3A_224 = arith.index_cast %get3A_223 : i32 to index
    %get3A_225 = arith.constant 96 : index
    %get3A_226 = tpu.vector_load %arg8[%get3A_224, %get3A_225] {strides = array<i32>} : memref<4x128xi32, #tpu.memory_space<vmem>>, vector<16xi32>,
    %xor3A_227 = arith.xori %get3A_222, %get3A_226 : vector<16xi32>
    %or3A_228 = arith.ori %or3A_220, %xor3A_227 : vector<16xi32>
    %get3A_229 = arith.constant 112 : index
    %get3A_230 = tpu.vector_load %arg7[%get3A_229] {strides = array<i32>} : memref<128xi32, #tpu.memory_space<vmem>>, vector<16xi32>,
    %get3A_231 = arith.constant 1 : i32
    %get3A_232 = arith.index_cast %get3A_231 : i32 to index
    %get3A_233 = arith.constant 112 : index
    %get3A_234 = tpu.vector_load %arg8[%get3A_232, %get3A_233] {strides = array<i32>} : memref<4x128xi32, #tpu.memory_space<vmem>>, vector<16xi32>,
    %xor3A_235 = arith.xori %get3A_230, %get3A_234 : vector<16xi32>
    %or3A_236 = arith.ori %or3A_228, %xor3A_235 : vector<16xi32>
    %ne3A_237 = arith.constant 0 : i32
    %ne3A_238 = vector.broadcast %ne3A_237 : i32 to vector<16xi32>
    %ne3A_239 = arith.cmpi ne, %or3A_236, %ne3A_238 : vector<16xi32>
    %all_reduce_population_count3A_240 = tpu.all_reduce %ne3A_239 {dim = 0 : i64, kind = #tpu.reduction_kind<sum>} : vector<16xi1> -> vector<16xi32>
    %eq3A_241 = arith.constant 0 : i32
    %eq3A_242 = vector.broadcast %eq3A_241 : i32 to vector<16xi32>
    %eq3A_243 = arith.cmpi eq, %all_reduce_population_count3A_240, %eq3A_242 : vector<16xi32>
    %jit3A_244 = arith.constant 1.000000e+00 : f32
    %jit3A_245 = arith.constant 0.000000e+00 : f32
    %broadcast_in_dim3A_246 = vector.broadcast %jit3A_244 : f32 to vector<16xf32>
    %broadcast_in_dim3A_247 = vector.broadcast %jit3A_245 : f32 to vector<16xf32>
    %select_n3A_248 = arith.select %eq3A_243, %broadcast_in_dim3A_246, %broadcast_in_dim3A_247 : vector<16xi1>, vector<16xf32>
    %add3A_249 = arith.addf %add3A_170, %select_n3A_248 : vector<16xf32>
    %broadcast_in_dim3A_250 = arith.constant 0 : i32
    %broadcast_in_dim3A_251 = vector.broadcast %broadcast_in_dim3A_250 : i32 to vector<16xi32>
    %get3A_252 = arith.constant 0 : index
    %get3A_253 = tpu.vector_load %arg7[%get3A_252] {strides = array<i32>} : memref<128xi32, #tpu.memory_space<vmem>>, vector<16xi32>,
    %get3A_254 = arith.constant 2 : i32
    %get3A_255 = arith.index_cast %get3A_254 : i32 to index
    %get3A_256 = arith.constant 0 : index
    %get3A_257 = tpu.vector_load %arg8[%get3A_255, %get3A_256] {strides = array<i32>} : memref<4x128xi32, #tpu.memory_space<vmem>>, vector<16xi32>,
    %xor3A_258 = arith.xori %get3A_253, %get3A_257 : vector<16xi32>
    %or3A_259 = arith.ori %broadcast_in_dim3A_251, %xor3A_258 : vector<16xi32>
    %get3A_260 = arith.constant 16 : index
    %get3A_261 = tpu.vector_load %arg7[%get3A_260] {strides = array<i32>} : memref<128xi32, #tpu.memory_space<vmem>>, vector<16xi32>,
    %get3A_262 = arith.constant 2 : i32
    %get3A_263 = arith.index_cast %get3A_262 : i32 to index
    %get3A_264 = arith.constant 16 : index
    %get3A_265 = tpu.vector_load %arg8[%get3A_263, %get3A_264] {strides = array<i32>} : memref<4x128xi32, #tpu.memory_space<vmem>>, vector<16xi32>,
    %xor3A_266 = arith.xori %get3A_261, %get3A_265 : vector<16xi32>
    %or3A_267 = arith.ori %or3A_259, %xor3A_266 : vector<16xi32>
    %get3A_268 = arith.constant 32 : index
    %get3A_269 = tpu.vector_load %arg7[%get3A_268] {strides = array<i32>} : memref<128xi32, #tpu.memory_space<vmem>>, vector<16xi32>,
    %get3A_270 = arith.constant 2 : i32
    %get3A_271 = arith.index_cast %get3A_270 : i32 to index
    %get3A_272 = arith.constant 32 : index
    %get3A_273 = tpu.vector_load %arg8[%get3A_271, %get3A_272] {strides = array<i32>} : memref<4x128xi32, #tpu.memory_space<vmem>>, vector<16xi32>,
    %xor3A_274 = arith.xori %get3A_269, %get3A_273 : vector<16xi32>
    %or3A_275 = arith.ori %or3A_267, %xor3A_274 : vector<16xi32>
    %get3A_276 = arith.constant 48 : index
    %get3A_277 = tpu.vector_load %arg7[%get3A_276] {strides = array<i32>} : memref<128xi32, #tpu.memory_space<vmem>>, vector<16xi32>,
    %get3A_278 = arith.constant 2 : i32
    %get3A_279 = arith.index_cast %get3A_278 : i32 to index
    %get3A_280 = arith.constant 48 : index
    %get3A_281 = tpu.vector_load %arg8[%get3A_279, %get3A_280] {strides = array<i32>} : memref<4x128xi32, #tpu.memory_space<vmem>>, vector<16xi32>,
    %xor3A_282 = arith.xori %get3A_277, %get3A_281 : vector<16xi32>
    %or3A_283 = arith.ori %or3A_275, %xor3A_282 : vector<16xi32>
    %get3A_284 = arith.constant 64 : index
    %get3A_285 = tpu.vector_load %arg7[%get3A_284] {strides = array<i32>} : memref<128xi32, #tpu.memory_space<vmem>>, vector<16xi32>,
    %get3A_286 = arith.constant 2 : i32
    %get3A_287 = arith.index_cast %get3A_286 : i32 to index
    %get3A_288 = arith.constant 64 : index
    %get3A_289 = tpu.vector_load %arg8[%get3A_287, %get3A_288] {strides = array<i32>} : memref<4x128xi32, #tpu.memory_space<vmem>>, vector<16xi32>,
    %xor3A_290 = arith.xori %get3A_285, %get3A_289 : vector<16xi32>
    %or3A_291 = arith.ori %or3A_283, %xor3A_290 : vector<16xi32>
    %get3A_292 = arith.constant 80 : index
    %get3A_293 = tpu.vector_load %arg7[%get3A_292] {strides = array<i32>} : memref<128xi32, #tpu.memory_space<vmem>>, vector<16xi32>,
    %get3A_294 = arith.constant 2 : i32
    %get3A_295 = arith.index_cast %get3A_294 : i32 to index
    %get3A_296 = arith.constant 80 : index
    %get3A_297 = tpu.vector_load %arg8[%get3A_295, %get3A_296] {strides = array<i32>} : memref<4x128xi32, #tpu.memory_space<vmem>>, vector<16xi32>,
    %xor3A_298 = arith.xori %get3A_293, %get3A_297 : vector<16xi32>
    %or3A_299 = arith.ori %or3A_291, %xor3A_298 : vector<16xi32>
    %get3A_300 = arith.constant 96 : index
    %get3A_301 = tpu.vector_load %arg7[%get3A_300] {strides = array<i32>} : memref<128xi32, #tpu.memory_space<vmem>>, vector<16xi32>,
    %get3A_302 = arith.constant 2 : i32
    %get3A_303 = arith.index_cast %get3A_302 : i32 to index
    %get3A_304 = arith.constant 96 : index
    %get3A_305 = tpu.vector_load %arg8[%get3A_303, %get3A_304] {strides = array<i32>} : memref<4x128xi32, #tpu.memory_space<vmem>>, vector<16xi32>,
    %xor3A_306 = arith.xori %get3A_301, %get3A_305 : vector<16xi32>
    %or3A_307 = arith.ori %or3A_299, %xor3A_306 : vector<16xi32>
    %get3A_308 = arith.constant 112 : index
    %get3A_309 = tpu.vector_load %arg7[%get3A_308] {strides = array<i32>} : memref<128xi32, #tpu.memory_space<vmem>>, vector<16xi32>,
    %get3A_310 = arith.constant 2 : i32
    %get3A_311 = arith.index_cast %get3A_310 : i32 to index
    %get3A_312 = arith.constant 112 : index
    %get3A_313 = tpu.vector_load %arg8[%get3A_311, %get3A_312] {strides = array<i32>} : memref<4x128xi32, #tpu.memory_space<vmem>>, vector<16xi32>,
    %xor3A_314 = arith.xori %get3A_309, %get3A_313 : vector<16xi32>
    %or3A_315 = arith.ori %or3A_307, %xor3A_314 : vector<16xi32>
    %ne3A_316 = arith.constant 0 : i32
    %ne3A_317 = vector.broadcast %ne3A_316 : i32 to vector<16xi32>
    %ne3A_318 = arith.cmpi ne, %or3A_315, %ne3A_317 : vector<16xi32>
    %all_reduce_population_count3A_319 = tpu.all_reduce %ne3A_318 {dim = 0 : i64, kind = #tpu.reduction_kind<sum>} : vector<16xi1> -> vector<16xi32>
    %eq3A_320 = arith.constant 0 : i32
    %eq3A_321 = vector.broadcast %eq3A_320 : i32 to vector<16xi32>
    %eq3A_322 = arith.cmpi eq, %all_reduce_population_count3A_319, %eq3A_321 : vector<16xi32>
    %jit3A_323 = arith.constant 1.000000e+00 : f32
    %jit3A_324 = arith.constant 0.000000e+00 : f32
    %broadcast_in_dim3A_325 = vector.broadcast %jit3A_323 : f32 to vector<16xf32>
    %broadcast_in_dim3A_326 = vector.broadcast %jit3A_324 : f32 to vector<16xf32>
    %select_n3A_327 = arith.select %eq3A_322, %broadcast_in_dim3A_325, %broadcast_in_dim3A_326 : vector<16xi1>, vector<16xf32>
    %add3A_328 = arith.addf %add3A_249, %select_n3A_327 : vector<16xf32>
    %broadcast_in_dim3A_329 = arith.constant 0 : i32
    %broadcast_in_dim3A_330 = vector.broadcast %broadcast_in_dim3A_329 : i32 to vector<16xi32>
    %get3A_331 = arith.constant 0 : index
    %get3A_332 = tpu.vector_load %arg7[%get3A_331] {strides = array<i32>} : memref<128xi32, #tpu.memory_space<vmem>>, vector<16xi32>,
    %get3A_333 = arith.constant 3 : i32
    %get3A_334 = arith.index_cast %get3A_333 : i32 to index
    %get3A_335 = arith.constant 0 : index
    %get3A_336 = tpu.vector_load %arg8[%get3A_334, %get3A_335] {strides = array<i32>} : memref<4x128xi32, #tpu.memory_space<vmem>>, vector<16xi32>,
    %xor3A_337 = arith.xori %get3A_332, %get3A_336 : vector<16xi32>
    %or3A_338 = arith.ori %broadcast_in_dim3A_330, %xor3A_337 : vector<16xi32>
    %get3A_339 = arith.constant 16 : index
    %get3A_340 = tpu.vector_load %arg7[%get3A_339] {strides = array<i32>} : memref<128xi32, #tpu.memory_space<vmem>>, vector<16xi32>,
    %get3A_341 = arith.constant 3 : i32
    %get3A_342 = arith.index_cast %get3A_341 : i32 to index
    %get3A_343 = arith.constant 16 : index
    %get3A_344 = tpu.vector_load %arg8[%get3A_342, %get3A_343] {strides = array<i32>} : memref<4x128xi32, #tpu.memory_space<vmem>>, vector<16xi32>,
    %xor3A_345 = arith.xori %get3A_340, %get3A_344 : vector<16xi32>
    %or3A_346 = arith.ori %or3A_338, %xor3A_345 : vector<16xi32>
    %get3A_347 = arith.constant 32 : index
    %get3A_348 = tpu.vector_load %arg7[%get3A_347] {strides = array<i32>} : memref<128xi32, #tpu.memory_space<vmem>>, vector<16xi32>,
    %get3A_349 = arith.constant 3 : i32
    %get3A_350 = arith.index_cast %get3A_349 : i32 to index
    %get3A_351 = arith.constant 32 : index
    %get3A_352 = tpu.vector_load %arg8[%get3A_350, %get3A_351] {strides = array<i32>} : memref<4x128xi32, #tpu.memory_space<vmem>>, vector<16xi32>,
    %xor3A_353 = arith.xori %get3A_348, %get3A_352 : vector<16xi32>
    %or3A_354 = arith.ori %or3A_346, %xor3A_353 : vector<16xi32>
    %get3A_355 = arith.constant 48 : index
    %get3A_356 = tpu.vector_load %arg7[%get3A_355] {strides = array<i32>} : memref<128xi32, #tpu.memory_space<vmem>>, vector<16xi32>,
    %get3A_357 = arith.constant 3 : i32
    %get3A_358 = arith.index_cast %get3A_357 : i32 to index
    %get3A_359 = arith.constant 48 : index
    %get3A_360 = tpu.vector_load %arg8[%get3A_358, %get3A_359] {strides = array<i32>} : memref<4x128xi32, #tpu.memory_space<vmem>>, vector<16xi32>,
    %xor3A_361 = arith.xori %get3A_356, %get3A_360 : vector<16xi32>
    %or3A_362 = arith.ori %or3A_354, %xor3A_361 : vector<16xi32>
    %get3A_363 = arith.constant 64 : index
    %get3A_364 = tpu.vector_load %arg7[%get3A_363] {strides = array<i32>} : memref<128xi32, #tpu.memory_space<vmem>>, vector<16xi32>,
    %get3A_365 = arith.constant 3 : i32
    %get3A_366 = arith.index_cast %get3A_365 : i32 to index
    %get3A_367 = arith.constant 64 : index
    %get3A_368 = tpu.vector_load %arg8[%get3A_366, %get3A_367] {strides = array<i32>} : memref<4x128xi32, #tpu.memory_space<vmem>>, vector<16xi32>,
    %xor3A_369 = arith.xori %get3A_364, %get3A_368 : vector<16xi32>
    %or3A_370 = arith.ori %or3A_362, %xor3A_369 : vector<16xi32>
    %get3A_371 = arith.constant 80 : index
    %get3A_372 = tpu.vector_load %arg7[%get3A_371] {strides = array<i32>} : memref<128xi32, #tpu.memory_space<vmem>>, vector<16xi32>,
    %get3A_373 = arith.constant 3 : i32
    %get3A_374 = arith.index_cast %get3A_373 : i32 to index
    %get3A_375 = arith.constant 80 : index
    %get3A_376 = tpu.vector_load %arg8[%get3A_374, %get3A_375] {strides = array<i32>} : memref<4x128xi32, #tpu.memory_space<vmem>>, vector<16xi32>,
    %xor3A_377 = arith.xori %get3A_372, %get3A_376 : vector<16xi32>
    %or3A_378 = arith.ori %or3A_370, %xor3A_377 : vector<16xi32>
    %get3A_379 = arith.constant 96 : index
    %get3A_380 = tpu.vector_load %arg7[%get3A_379] {strides = array<i32>} : memref<128xi32, #tpu.memory_space<vmem>>, vector<16xi32>,
    %get3A_381 = arith.constant 3 : i32
    %get3A_382 = arith.index_cast %get3A_381 : i32 to index
    %get3A_383 = arith.constant 96 : index
    %get3A_384 = tpu.vector_load %arg8[%get3A_382, %get3A_383] {strides = array<i32>} : memref<4x128xi32, #tpu.memory_space<vmem>>, vector<16xi32>,
    %xor3A_385 = arith.xori %get3A_380, %get3A_384 : vector<16xi32>
    %or3A_386 = arith.ori %or3A_378, %xor3A_385 : vector<16xi32>
    %get3A_387 = arith.constant 112 : index
    %get3A_388 = tpu.vector_load %arg7[%get3A_387] {strides = array<i32>} : memref<128xi32, #tpu.memory_space<vmem>>, vector<16xi32>,
    %get3A_389 = arith.constant 3 : i32
    %get3A_390 = arith.index_cast %get3A_389 : i32 to index
    %get3A_391 = arith.constant 112 : index
    %get3A_392 = tpu.vector_load %arg8[%get3A_390, %get3A_391] {strides = array<i32>} : memref<4x128xi32, #tpu.memory_space<vmem>>, vector<16xi32>,
    %xor3A_393 = arith.xori %get3A_388, %get3A_392 : vector<16xi32>
    %or3A_394 = arith.ori %or3A_386, %xor3A_393 : vector<16xi32>
    %ne3A_395 = arith.constant 0 : i32
    %ne3A_396 = vector.broadcast %ne3A_395 : i32 to vector<16xi32>
    %ne3A_397 = arith.cmpi ne, %or3A_394, %ne3A_396 : vector<16xi32>
    %all_reduce_population_count3A_398 = tpu.all_reduce %ne3A_397 {dim = 0 : i64, kind = #tpu.reduction_kind<sum>} : vector<16xi1> -> vector<16xi32>
    %eq3A_399 = arith.constant 0 : i32
    %eq3A_400 = vector.broadcast %eq3A_399 : i32 to vector<16xi32>
    %eq3A_401 = arith.cmpi eq, %all_reduce_population_count3A_398, %eq3A_400 : vector<16xi32>
    %jit3A_402 = arith.constant 1.000000e+00 : f32
    %jit3A_403 = arith.constant 0.000000e+00 : f32
    %broadcast_in_dim3A_404 = vector.broadcast %jit3A_402 : f32 to vector<16xf32>
    %broadcast_in_dim3A_405 = vector.broadcast %jit3A_403 : f32 to vector<16xf32>
    %select_n3A_406 = arith.select %eq3A_401, %broadcast_in_dim3A_404, %broadcast_in_dim3A_405 : vector<16xi1>, vector<16xf32>
    %add3A_407 = arith.addf %add3A_328, %select_n3A_406 : vector<16xf32>
    %add3A_408 = arith.constant 1.000000e+00 : f32
    %add3A_409 = vector.broadcast %add3A_408 : f32 to vector<16xf32>
    %add3A_410 = arith.addf %add3A_409, %add3A_407 : vector<16xf32>
    %div3A_411 = arith.constant 1.000000e+00 : f32
    %div3A_412 = vector.broadcast %div3A_411 : f32 to vector<16xf32>
    %div3A_413 = arith.divf %div3A_412, %add3A_410 : vector<16xf32>
    %broadcast_in_dim3A_414 = arith.constant 0.000000e+00 : f32
    %broadcast_in_dim3A_415 = vector.broadcast %broadcast_in_dim3A_414 : f32 to vector<16xf32>
    %swap3A = arith.constant 0 : index
    %swap3A_416 = tpu.vector_load %arg13[%swap3A] {strides = array<i32>} : memref<256xf32, #tpu.memory_space<vmem>>, vector<16xf32>,
    tpu.vector_store %arg13[%swap3A], %broadcast_in_dim3A_415 {strides = array<i32>} : memref<256xf32, #tpu.memory_space<vmem>>, vector<16xf32>,
    %swap3A_417 = arith.constant 16 : index
    %swap3A_418 = tpu.vector_load %arg13[%swap3A_417] {strides = array<i32>} : memref<256xf32, #tpu.memory_space<vmem>>, vector<16xf32>,
    tpu.vector_store %arg13[%swap3A_417], %broadcast_in_dim3A_415 {strides = array<i32>} : memref<256xf32, #tpu.memory_space<vmem>>, vector<16xf32>,
    %swap3A_419 = arith.constant 32 : index
    %swap3A_420 = tpu.vector_load %arg13[%swap3A_419] {strides = array<i32>} : memref<256xf32, #tpu.memory_space<vmem>>, vector<16xf32>,
    tpu.vector_store %arg13[%swap3A_419], %broadcast_in_dim3A_415 {strides = array<i32>} : memref<256xf32, #tpu.memory_space<vmem>>, vector<16xf32>,
    %swap3A_421 = arith.constant 48 : index
    %swap3A_422 = tpu.vector_load %arg13[%swap3A_421] {strides = array<i32>} : memref<256xf32, #tpu.memory_space<vmem>>, vector<16xf32>,
    tpu.vector_store %arg13[%swap3A_421], %broadcast_in_dim3A_415 {strides = array<i32>} : memref<256xf32, #tpu.memory_space<vmem>>, vector<16xf32>,
    %swap3A_423 = arith.constant 64 : index
    %swap3A_424 = tpu.vector_load %arg13[%swap3A_423] {strides = array<i32>} : memref<256xf32, #tpu.memory_space<vmem>>, vector<16xf32>,
    tpu.vector_store %arg13[%swap3A_423], %broadcast_in_dim3A_415 {strides = array<i32>} : memref<256xf32, #tpu.memory_space<vmem>>, vector<16xf32>,
    %swap3A_425 = arith.constant 80 : index
    %swap3A_426 = tpu.vector_load %arg13[%swap3A_425] {strides = array<i32>} : memref<256xf32, #tpu.memory_space<vmem>>, vector<16xf32>,
    tpu.vector_store %arg13[%swap3A_425], %broadcast_in_dim3A_415 {strides = array<i32>} : memref<256xf32, #tpu.memory_space<vmem>>, vector<16xf32>,
    %swap3A_427 = arith.constant 96 : index
    %swap3A_428 = tpu.vector_load %arg13[%swap3A_427] {strides = array<i32>} : memref<256xf32, #tpu.memory_space<vmem>>, vector<16xf32>,
    tpu.vector_store %arg13[%swap3A_427], %broadcast_in_dim3A_415 {strides = array<i32>} : memref<256xf32, #tpu.memory_space<vmem>>, vector<16xf32>,
    %swap3A_429 = arith.constant 112 : index
    %swap3A_430 = tpu.vector_load %arg13[%swap3A_429] {strides = array<i32>} : memref<256xf32, #tpu.memory_space<vmem>>, vector<16xf32>,
    tpu.vector_store %arg13[%swap3A_429], %broadcast_in_dim3A_415 {strides = array<i32>} : memref<256xf32, #tpu.memory_space<vmem>>, vector<16xf32>,
    %swap3A_431 = arith.constant 128 : index
    %swap3A_432 = tpu.vector_load %arg13[%swap3A_431] {strides = array<i32>} : memref<256xf32, #tpu.memory_space<vmem>>, vector<16xf32>,
    tpu.vector_store %arg13[%swap3A_431], %broadcast_in_dim3A_415 {strides = array<i32>} : memref<256xf32, #tpu.memory_space<vmem>>, vector<16xf32>,
    %swap3A_433 = arith.constant 144 : index
    %swap3A_434 = tpu.vector_load %arg13[%swap3A_433] {strides = array<i32>} : memref<256xf32, #tpu.memory_space<vmem>>, vector<16xf32>,
    tpu.vector_store %arg13[%swap3A_433], %broadcast_in_dim3A_415 {strides = array<i32>} : memref<256xf32, #tpu.memory_space<vmem>>, vector<16xf32>,
    %swap3A_435 = arith.constant 160 : index
    %swap3A_436 = tpu.vector_load %arg13[%swap3A_435] {strides = array<i32>} : memref<256xf32, #tpu.memory_space<vmem>>, vector<16xf32>,
    tpu.vector_store %arg13[%swap3A_435], %broadcast_in_dim3A_415 {strides = array<i32>} : memref<256xf32, #tpu.memory_space<vmem>>, vector<16xf32>,
    %swap3A_437 = arith.constant 176 : index
    %swap3A_438 = tpu.vector_load %arg13[%swap3A_437] {strides = array<i32>} : memref<256xf32, #tpu.memory_space<vmem>>, vector<16xf32>,
    tpu.vector_store %arg13[%swap3A_437], %broadcast_in_dim3A_415 {strides = array<i32>} : memref<256xf32, #tpu.memory_space<vmem>>, vector<16xf32>,
    %swap3A_439 = arith.constant 192 : index
    %swap3A_440 = tpu.vector_load %arg13[%swap3A_439] {strides = array<i32>} : memref<256xf32, #tpu.memory_space<vmem>>, vector<16xf32>,
    tpu.vector_store %arg13[%swap3A_439], %broadcast_in_dim3A_415 {strides = array<i32>} : memref<256xf32, #tpu.memory_space<vmem>>, vector<16xf32>,
    %swap3A_441 = arith.constant 208 : index
    %swap3A_442 = tpu.vector_load %arg13[%swap3A_441] {strides = array<i32>} : memref<256xf32, #tpu.memory_space<vmem>>, vector<16xf32>,
    tpu.vector_store %arg13[%swap3A_441], %broadcast_in_dim3A_415 {strides = array<i32>} : memref<256xf32, #tpu.memory_space<vmem>>, vector<16xf32>,
    %swap3A_443 = arith.constant 224 : index
    %swap3A_444 = tpu.vector_load %arg13[%swap3A_443] {strides = array<i32>} : memref<256xf32, #tpu.memory_space<vmem>>, vector<16xf32>,
    tpu.vector_store %arg13[%swap3A_443], %broadcast_in_dim3A_415 {strides = array<i32>} : memref<256xf32, #tpu.memory_space<vmem>>, vector<16xf32>,
    %swap3A_445 = arith.constant 240 : index
    %swap3A_446 = tpu.vector_load %arg13[%swap3A_445] {strides = array<i32>} : memref<256xf32, #tpu.memory_space<vmem>>, vector<16xf32>,
    tpu.vector_store %arg13[%swap3A_445], %broadcast_in_dim3A_415 {strides = array<i32>} : memref<256xf32, #tpu.memory_space<vmem>>, vector<16xf32>,
    %iota3A = tpu.iota {dimensions = array<i32: 0>} : vector<16xi32>
    %add3A_447 = arith.constant 0 : i32
    %add3A_448 = vector.broadcast %add3A_447 : i32 to vector<16xi32>
    %add3A_449 = arith.addi %iota3A, %add3A_448 : vector<16xi32>
    %get3A_450 = arith.constant 0 : index
    %get3A_451 = tpu.vector_load %arg9[%get3A_450] {strides = array<i32>} : memref<128xf32, #tpu.memory_space<vmem>>, vector<16xf32>,
    %get3A_452 = arith.constant 0 : index
    %get3A_453 = tpu.vector_load %arg10[%get3A_452] {strides = array<i32>} : memref<128xf32, #tpu.memory_space<vmem>>, vector<16xf32>,
    %get3A_454 = arith.constant 0 : index
    %get3A_455 = tpu.vector_load %arg11[%get3A_454] {strides = array<i32>} : memref<128xf32, #tpu.memory_space<vmem>>, vector<16xf32>,
    %get3A_456 = arith.constant 0 : index
    %get3A_457 = tpu.vector_load %arg12[%get3A_456] {strides = array<i32>} : memref<128xf32, #tpu.memory_space<vmem>>, vector<16xf32>,
    %convert_element_type3A = arith.fptosi %get3A_451 : vector<16xf32> to vector<16xi32>
    %mul3A_458 = arith.constant 128 : i32
    %mul3A_459 = vector.broadcast %mul3A_458 : i32 to vector<16xi32>
    %mul3A_460 = arith.muli %convert_element_type3A, %mul3A_459 : vector<16xi32>
    %add3A_461 = arith.addi %mul3A_460, %add3A_449 : vector<16xi32>
    %convert_element_type3A_462 = arith.fptosi %get3A_453 : vector<16xf32> to vector<16xi32>
    %mul3A_463 = arith.constant 128 : i32
    %mul3A_464 = vector.broadcast %mul3A_463 : i32 to vector<16xi32>
    %mul3A_465 = arith.muli %convert_element_type3A_462, %mul3A_464 : vector<16xi32>
    %add3A_466 = arith.addi %mul3A_465, %add3A_449 : vector<16xi32>
    %mul3A_467 = arith.mulf %get3A_455, %div3A_413 : vector<16xf32>
    tpu.vector_store_idx %arg13[%add3A_461], %mul3A_467 {add = true} : memref<256xf32, #tpu.memory_space<vmem>>[vector<16xi32>], vector<16xf32>,
    %mul3A_468 = arith.mulf %get3A_457, %div3A_413 : vector<16xf32>
    tpu.vector_store_idx %arg13[%add3A_466], %mul3A_468 {add = true} : memref<256xf32, #tpu.memory_space<vmem>>[vector<16xi32>], vector<16xf32>,
    %add3A_469 = arith.constant 16 : i32
    %add3A_470 = vector.broadcast %add3A_469 : i32 to vector<16xi32>
    %add3A_471 = arith.addi %iota3A, %add3A_470 : vector<16xi32>
    %get3A_472 = arith.constant 16 : index
    %get3A_473 = tpu.vector_load %arg9[%get3A_472] {strides = array<i32>} : memref<128xf32, #tpu.memory_space<vmem>>, vector<16xf32>,
    %get3A_474 = arith.constant 16 : index
    %get3A_475 = tpu.vector_load %arg10[%get3A_474] {strides = array<i32>} : memref<128xf32, #tpu.memory_space<vmem>>, vector<16xf32>,
    %get3A_476 = arith.constant 16 : index
    %get3A_477 = tpu.vector_load %arg11[%get3A_476] {strides = array<i32>} : memref<128xf32, #tpu.memory_space<vmem>>, vector<16xf32>,
    %get3A_478 = arith.constant 16 : index
    %get3A_479 = tpu.vector_load %arg12[%get3A_478] {strides = array<i32>} : memref<128xf32, #tpu.memory_space<vmem>>, vector<16xf32>,
    %convert_element_type3A_480 = arith.fptosi %get3A_473 : vector<16xf32> to vector<16xi32>
    %mul3A_481 = arith.constant 128 : i32
    %mul3A_482 = vector.broadcast %mul3A_481 : i32 to vector<16xi32>
    %mul3A_483 = arith.muli %convert_element_type3A_480, %mul3A_482 : vector<16xi32>
    %add3A_484 = arith.addi %mul3A_483, %add3A_471 : vector<16xi32>
    %convert_element_type3A_485 = arith.fptosi %get3A_475 : vector<16xf32> to vector<16xi32>
    %mul3A_486 = arith.constant 128 : i32
    %mul3A_487 = vector.broadcast %mul3A_486 : i32 to vector<16xi32>
    %mul3A_488 = arith.muli %convert_element_type3A_485, %mul3A_487 : vector<16xi32>
    %add3A_489 = arith.addi %mul3A_488, %add3A_471 : vector<16xi32>
    %mul3A_490 = arith.mulf %get3A_477, %div3A_413 : vector<16xf32>
    tpu.vector_store_idx %arg13[%add3A_484], %mul3A_490 {add = true} : memref<256xf32, #tpu.memory_space<vmem>>[vector<16xi32>], vector<16xf32>,
    %mul3A_491 = arith.mulf %get3A_479, %div3A_413 : vector<16xf32>
    tpu.vector_store_idx %arg13[%add3A_489], %mul3A_491 {add = true} : memref<256xf32, #tpu.memory_space<vmem>>[vector<16xi32>], vector<16xf32>,
    %add3A_492 = arith.constant 32 : i32
    %add3A_493 = vector.broadcast %add3A_492 : i32 to vector<16xi32>
    %add3A_494 = arith.addi %iota3A, %add3A_493 : vector<16xi32>
    %get3A_495 = arith.constant 32 : index
    %get3A_496 = tpu.vector_load %arg9[%get3A_495] {strides = array<i32>} : memref<128xf32, #tpu.memory_space<vmem>>, vector<16xf32>,
    %get3A_497 = arith.constant 32 : index
    %get3A_498 = tpu.vector_load %arg10[%get3A_497] {strides = array<i32>} : memref<128xf32, #tpu.memory_space<vmem>>, vector<16xf32>,
    %get3A_499 = arith.constant 32 : index
    %get3A_500 = tpu.vector_load %arg11[%get3A_499] {strides = array<i32>} : memref<128xf32, #tpu.memory_space<vmem>>, vector<16xf32>,
    %get3A_501 = arith.constant 32 : index
    %get3A_502 = tpu.vector_load %arg12[%get3A_501] {strides = array<i32>} : memref<128xf32, #tpu.memory_space<vmem>>, vector<16xf32>,
    %convert_element_type3A_503 = arith.fptosi %get3A_496 : vector<16xf32> to vector<16xi32>
    %mul3A_504 = arith.constant 128 : i32
    %mul3A_505 = vector.broadcast %mul3A_504 : i32 to vector<16xi32>
    %mul3A_506 = arith.muli %convert_element_type3A_503, %mul3A_505 : vector<16xi32>
    %add3A_507 = arith.addi %mul3A_506, %add3A_494 : vector<16xi32>
    %convert_element_type3A_508 = arith.fptosi %get3A_498 : vector<16xf32> to vector<16xi32>
    %mul3A_509 = arith.constant 128 : i32
    %mul3A_510 = vector.broadcast %mul3A_509 : i32 to vector<16xi32>
    %mul3A_511 = arith.muli %convert_element_type3A_508, %mul3A_510 : vector<16xi32>
    %add3A_512 = arith.addi %mul3A_511, %add3A_494 : vector<16xi32>
    %mul3A_513 = arith.mulf %get3A_500, %div3A_413 : vector<16xf32>
    tpu.vector_store_idx %arg13[%add3A_507], %mul3A_513 {add = true} : memref<256xf32, #tpu.memory_space<vmem>>[vector<16xi32>], vector<16xf32>,
    %mul3A_514 = arith.mulf %get3A_502, %div3A_413 : vector<16xf32>
    tpu.vector_store_idx %arg13[%add3A_512], %mul3A_514 {add = true} : memref<256xf32, #tpu.memory_space<vmem>>[vector<16xi32>], vector<16xf32>,
    %add3A_515 = arith.constant 48 : i32
    %add3A_516 = vector.broadcast %add3A_515 : i32 to vector<16xi32>
    %add3A_517 = arith.addi %iota3A, %add3A_516 : vector<16xi32>
    %get3A_518 = arith.constant 48 : index
    %get3A_519 = tpu.vector_load %arg9[%get3A_518] {strides = array<i32>} : memref<128xf32, #tpu.memory_space<vmem>>, vector<16xf32>,
    %get3A_520 = arith.constant 48 : index
    %get3A_521 = tpu.vector_load %arg10[%get3A_520] {strides = array<i32>} : memref<128xf32, #tpu.memory_space<vmem>>, vector<16xf32>,
    %get3A_522 = arith.constant 48 : index
    %get3A_523 = tpu.vector_load %arg11[%get3A_522] {strides = array<i32>} : memref<128xf32, #tpu.memory_space<vmem>>, vector<16xf32>,
    %get3A_524 = arith.constant 48 : index
    %get3A_525 = tpu.vector_load %arg12[%get3A_524] {strides = array<i32>} : memref<128xf32, #tpu.memory_space<vmem>>, vector<16xf32>,
    %convert_element_type3A_526 = arith.fptosi %get3A_519 : vector<16xf32> to vector<16xi32>
    %mul3A_527 = arith.constant 128 : i32
    %mul3A_528 = vector.broadcast %mul3A_527 : i32 to vector<16xi32>
    %mul3A_529 = arith.muli %convert_element_type3A_526, %mul3A_528 : vector<16xi32>
    %add3A_530 = arith.addi %mul3A_529, %add3A_517 : vector<16xi32>
    %convert_element_type3A_531 = arith.fptosi %get3A_521 : vector<16xf32> to vector<16xi32>
    %mul3A_532 = arith.constant 128 : i32
    %mul3A_533 = vector.broadcast %mul3A_532 : i32 to vector<16xi32>
    %mul3A_534 = arith.muli %convert_element_type3A_531, %mul3A_533 : vector<16xi32>
    %add3A_535 = arith.addi %mul3A_534, %add3A_517 : vector<16xi32>
    %mul3A_536 = arith.mulf %get3A_523, %div3A_413 : vector<16xf32>
    tpu.vector_store_idx %arg13[%add3A_530], %mul3A_536 {add = true} : memref<256xf32, #tpu.memory_space<vmem>>[vector<16xi32>], vector<16xf32>,
    %mul3A_537 = arith.mulf %get3A_525, %div3A_413 : vector<16xf32>
    tpu.vector_store_idx %arg13[%add3A_535], %mul3A_537 {add = true} : memref<256xf32, #tpu.memory_space<vmem>>[vector<16xi32>], vector<16xf32>,
    %add3A_538 = arith.constant 64 : i32
    %add3A_539 = vector.broadcast %add3A_538 : i32 to vector<16xi32>
    %add3A_540 = arith.addi %iota3A, %add3A_539 : vector<16xi32>
    %get3A_541 = arith.constant 64 : index
    %get3A_542 = tpu.vector_load %arg9[%get3A_541] {strides = array<i32>} : memref<128xf32, #tpu.memory_space<vmem>>, vector<16xf32>,
    %get3A_543 = arith.constant 64 : index
    %get3A_544 = tpu.vector_load %arg10[%get3A_543] {strides = array<i32>} : memref<128xf32, #tpu.memory_space<vmem>>, vector<16xf32>,
    %get3A_545 = arith.constant 64 : index
    %get3A_546 = tpu.vector_load %arg11[%get3A_545] {strides = array<i32>} : memref<128xf32, #tpu.memory_space<vmem>>, vector<16xf32>,
    %get3A_547 = arith.constant 64 : index
    %get3A_548 = tpu.vector_load %arg12[%get3A_547] {strides = array<i32>} : memref<128xf32, #tpu.memory_space<vmem>>, vector<16xf32>,
    %convert_element_type3A_549 = arith.fptosi %get3A_542 : vector<16xf32> to vector<16xi32>
    %mul3A_550 = arith.constant 128 : i32
    %mul3A_551 = vector.broadcast %mul3A_550 : i32 to vector<16xi32>
    %mul3A_552 = arith.muli %convert_element_type3A_549, %mul3A_551 : vector<16xi32>
    %add3A_553 = arith.addi %mul3A_552, %add3A_540 : vector<16xi32>
    %convert_element_type3A_554 = arith.fptosi %get3A_544 : vector<16xf32> to vector<16xi32>
    %mul3A_555 = arith.constant 128 : i32
    %mul3A_556 = vector.broadcast %mul3A_555 : i32 to vector<16xi32>
    %mul3A_557 = arith.muli %convert_element_type3A_554, %mul3A_556 : vector<16xi32>
    %add3A_558 = arith.addi %mul3A_557, %add3A_540 : vector<16xi32>
    %mul3A_559 = arith.mulf %get3A_546, %div3A_413 : vector<16xf32>
    tpu.vector_store_idx %arg13[%add3A_553], %mul3A_559 {add = true} : memref<256xf32, #tpu.memory_space<vmem>>[vector<16xi32>], vector<16xf32>,
    %mul3A_560 = arith.mulf %get3A_548, %div3A_413 : vector<16xf32>
    tpu.vector_store_idx %arg13[%add3A_558], %mul3A_560 {add = true} : memref<256xf32, #tpu.memory_space<vmem>>[vector<16xi32>], vector<16xf32>,
    %add3A_561 = arith.constant 80 : i32
    %add3A_562 = vector.broadcast %add3A_561 : i32 to vector<16xi32>
    %add3A_563 = arith.addi %iota3A, %add3A_562 : vector<16xi32>
    %get3A_564 = arith.constant 80 : index
    %get3A_565 = tpu.vector_load %arg9[%get3A_564] {strides = array<i32>} : memref<128xf32, #tpu.memory_space<vmem>>, vector<16xf32>,
    %get3A_566 = arith.constant 80 : index
    %get3A_567 = tpu.vector_load %arg10[%get3A_566] {strides = array<i32>} : memref<128xf32, #tpu.memory_space<vmem>>, vector<16xf32>,
    %get3A_568 = arith.constant 80 : index
    %get3A_569 = tpu.vector_load %arg11[%get3A_568] {strides = array<i32>} : memref<128xf32, #tpu.memory_space<vmem>>, vector<16xf32>,
    %get3A_570 = arith.constant 80 : index
    %get3A_571 = tpu.vector_load %arg12[%get3A_570] {strides = array<i32>} : memref<128xf32, #tpu.memory_space<vmem>>, vector<16xf32>,
    %convert_element_type3A_572 = arith.fptosi %get3A_565 : vector<16xf32> to vector<16xi32>
    %mul3A_573 = arith.constant 128 : i32
    %mul3A_574 = vector.broadcast %mul3A_573 : i32 to vector<16xi32>
    %mul3A_575 = arith.muli %convert_element_type3A_572, %mul3A_574 : vector<16xi32>
    %add3A_576 = arith.addi %mul3A_575, %add3A_563 : vector<16xi32>
    %convert_element_type3A_577 = arith.fptosi %get3A_567 : vector<16xf32> to vector<16xi32>
    %mul3A_578 = arith.constant 128 : i32
    %mul3A_579 = vector.broadcast %mul3A_578 : i32 to vector<16xi32>
    %mul3A_580 = arith.muli %convert_element_type3A_577, %mul3A_579 : vector<16xi32>
    %add3A_581 = arith.addi %mul3A_580, %add3A_563 : vector<16xi32>
    %mul3A_582 = arith.mulf %get3A_569, %div3A_413 : vector<16xf32>
    tpu.vector_store_idx %arg13[%add3A_576], %mul3A_582 {add = true} : memref<256xf32, #tpu.memory_space<vmem>>[vector<16xi32>], vector<16xf32>,
    %mul3A_583 = arith.mulf %get3A_571, %div3A_413 : vector<16xf32>
    tpu.vector_store_idx %arg13[%add3A_581], %mul3A_583 {add = true} : memref<256xf32, #tpu.memory_space<vmem>>[vector<16xi32>], vector<16xf32>,
    %add3A_584 = arith.constant 96 : i32
    %add3A_585 = vector.broadcast %add3A_584 : i32 to vector<16xi32>
    %add3A_586 = arith.addi %iota3A, %add3A_585 : vector<16xi32>
    %get3A_587 = arith.constant 96 : index
    %get3A_588 = tpu.vector_load %arg9[%get3A_587] {strides = array<i32>} : memref<128xf32, #tpu.memory_space<vmem>>, vector<16xf32>,
    %get3A_589 = arith.constant 96 : index
    %get3A_590 = tpu.vector_load %arg10[%get3A_589] {strides = array<i32>} : memref<128xf32, #tpu.memory_space<vmem>>, vector<16xf32>,
    %get3A_591 = arith.constant 96 : index
    %get3A_592 = tpu.vector_load %arg11[%get3A_591] {strides = array<i32>} : memref<128xf32, #tpu.memory_space<vmem>>, vector<16xf32>,
    %get3A_593 = arith.constant 96 : index
    %get3A_594 = tpu.vector_load %arg12[%get3A_593] {strides = array<i32>} : memref<128xf32, #tpu.memory_space<vmem>>, vector<16xf32>,
    %convert_element_type3A_595 = arith.fptosi %get3A_588 : vector<16xf32> to vector<16xi32>
    %mul3A_596 = arith.constant 128 : i32
    %mul3A_597 = vector.broadcast %mul3A_596 : i32 to vector<16xi32>
    %mul3A_598 = arith.muli %convert_element_type3A_595, %mul3A_597 : vector<16xi32>
    %add3A_599 = arith.addi %mul3A_598, %add3A_586 : vector<16xi32>
    %convert_element_type3A_600 = arith.fptosi %get3A_590 : vector<16xf32> to vector<16xi32>
    %mul3A_601 = arith.constant 128 : i32
    %mul3A_602 = vector.broadcast %mul3A_601 : i32 to vector<16xi32>
    %mul3A_603 = arith.muli %convert_element_type3A_600, %mul3A_602 : vector<16xi32>
    %add3A_604 = arith.addi %mul3A_603, %add3A_586 : vector<16xi32>
    %mul3A_605 = arith.mulf %get3A_592, %div3A_413 : vector<16xf32>
    tpu.vector_store_idx %arg13[%add3A_599], %mul3A_605 {add = true} : memref<256xf32, #tpu.memory_space<vmem>>[vector<16xi32>], vector<16xf32>,
    %mul3A_606 = arith.mulf %get3A_594, %div3A_413 : vector<16xf32>
    tpu.vector_store_idx %arg13[%add3A_604], %mul3A_606 {add = true} : memref<256xf32, #tpu.memory_space<vmem>>[vector<16xi32>], vector<16xf32>,
    %add3A_607 = arith.constant 112 : i32
    %add3A_608 = vector.broadcast %add3A_607 : i32 to vector<16xi32>
    %add3A_609 = arith.addi %iota3A, %add3A_608 : vector<16xi32>
    %get3A_610 = arith.constant 112 : index
    %get3A_611 = tpu.vector_load %arg9[%get3A_610] {strides = array<i32>} : memref<128xf32, #tpu.memory_space<vmem>>, vector<16xf32>,
    %get3A_612 = arith.constant 112 : index
    %get3A_613 = tpu.vector_load %arg10[%get3A_612] {strides = array<i32>} : memref<128xf32, #tpu.memory_space<vmem>>, vector<16xf32>,
    %get3A_614 = arith.constant 112 : index
    %get3A_615 = tpu.vector_load %arg11[%get3A_614] {strides = array<i32>} : memref<128xf32, #tpu.memory_space<vmem>>, vector<16xf32>,
    %get3A_616 = arith.constant 112 : index
    %get3A_617 = tpu.vector_load %arg12[%get3A_616] {strides = array<i32>} : memref<128xf32, #tpu.memory_space<vmem>>, vector<16xf32>,
    %convert_element_type3A_618 = arith.fptosi %get3A_611 : vector<16xf32> to vector<16xi32>
    %mul3A_619 = arith.constant 128 : i32
    %mul3A_620 = vector.broadcast %mul3A_619 : i32 to vector<16xi32>
    %mul3A_621 = arith.muli %convert_element_type3A_618, %mul3A_620 : vector<16xi32>
    %add3A_622 = arith.addi %mul3A_621, %add3A_609 : vector<16xi32>
    %convert_element_type3A_623 = arith.fptosi %get3A_613 : vector<16xf32> to vector<16xi32>
    %mul3A_624 = arith.constant 128 : i32
    %mul3A_625 = vector.broadcast %mul3A_624 : i32 to vector<16xi32>
    %mul3A_626 = arith.muli %convert_element_type3A_623, %mul3A_625 : vector<16xi32>
    %add3A_627 = arith.addi %mul3A_626, %add3A_609 : vector<16xi32>
    %mul3A_628 = arith.mulf %get3A_615, %div3A_413 : vector<16xf32>
    tpu.vector_store_idx %arg13[%add3A_622], %mul3A_628 {add = true} : memref<256xf32, #tpu.memory_space<vmem>>[vector<16xi32>], vector<16xf32>,
    %mul3A_629 = arith.mulf %get3A_617, %div3A_413 : vector<16xf32>
    tpu.vector_store_idx %arg13[%add3A_627], %mul3A_629 {add = true} : memref<256xf32, #tpu.memory_space<vmem>>[vector<16xi32>], vector<16xf32>,
    %dma_start3A_630 = arith.constant 0 : i32
    %dma_start3A_631 = tpu.memref_slice %arg13[%dma_start3A_630] : memref<256xf32, #tpu.memory_space<vmem>> -> memref<128xf32, #tpu.memory_space<vmem>>
    %dma_start3A_632 = tpu.memref_slice %arg6[%arg0, %add3A_32] : memref<2x4096xf32, #tpu.memory_space<hbm>> -> memref<1x128xf32, #tpu.memory_space<hbm>>
    %dma_start3A_633 = tpu.memref_squeeze %dma_start3A_632 : memref<1x128xf32, #tpu.memory_space<hbm>> -> memref<128xf32, #tpu.memory_space<hbm>>
    %dma_start3A_634 = tpu.memref_slice %arg6[%arg0, %add3A_32] : memref<2x4096xf32, #tpu.memory_space<hbm>> -> memref<1x128xf32, #tpu.memory_space<hbm>>
    %dma_start3A_635 = tpu.memref_squeeze %dma_start3A_634 : memref<1x128xf32, #tpu.memory_space<hbm>> -> memref<128xf32, #tpu.memory_space<hbm>>
    %dma_start3A_636 = arith.constant 0 : i32
    %dma_start3A_637 = tpu.memref_slice %arg13[%dma_start3A_636] : memref<256xf32, #tpu.memory_space<vmem>> -> memref<128xf32, #tpu.memory_space<vmem>>
    tpu.enqueue_dma source(%dma_start3A_637 : memref<128xf32, #tpu.memory_space<vmem>>) target(%dma_start3A_635 : memref<128xf32, #tpu.memory_space<hbm>>) target_semaphore(%arg14 : memref<!tpu.dma_semaphore, #tpu.memory_space<semaphore_mem>>)
    %add3A_638 = arith.constant 512 : i32
    %add3A_639 = arith.addi %add3A_32, %add3A_638 : i32
    %dma_start3A_640 = arith.constant 128 : i32
    %dma_start3A_641 = tpu.memref_slice %arg13[%dma_start3A_640] : memref<256xf32, #tpu.memory_space<vmem>> -> memref<128xf32, #tpu.memory_space<vmem>>
    %dma_start3A_642 = tpu.memref_slice %arg6[%arg0, %add3A_639] : memref<2x4096xf32, #tpu.memory_space<hbm>> -> memref<1x128xf32, #tpu.memory_space<hbm>>
    %dma_start3A_643 = tpu.memref_squeeze %dma_start3A_642 : memref<1x128xf32, #tpu.memory_space<hbm>> -> memref<128xf32, #tpu.memory_space<hbm>>
    %dma_start3A_644 = tpu.memref_slice %arg6[%arg0, %add3A_639] : memref<2x4096xf32, #tpu.memory_space<hbm>> -> memref<1x128xf32, #tpu.memory_space<hbm>>
    %dma_start3A_645 = tpu.memref_squeeze %dma_start3A_644 : memref<1x128xf32, #tpu.memory_space<hbm>> -> memref<128xf32, #tpu.memory_space<hbm>>
    %dma_start3A_646 = arith.constant 128 : i32
    %dma_start3A_647 = tpu.memref_slice %arg13[%dma_start3A_646] : memref<256xf32, #tpu.memory_space<vmem>> -> memref<128xf32, #tpu.memory_space<vmem>>
    tpu.enqueue_dma source(%dma_start3A_647 : memref<128xf32, #tpu.memory_space<vmem>>) target(%dma_start3A_645 : memref<128xf32, #tpu.memory_space<hbm>>) target_semaphore(%arg14 : memref<!tpu.dma_semaphore, #tpu.memory_space<semaphore_mem>>)
    %dma_wait3A_648 = arith.constant 0 : i32
    %dma_wait3A_649 = tpu.memref_slice %arg13[%dma_wait3A_648] : memref<256xf32, #tpu.memory_space<vmem>> -> memref<128xf32, #tpu.memory_space<vmem>>
    %dma_wait3A_650 = tpu.memref_slice %arg6[%arg0, %add3A_32] : memref<2x4096xf32, #tpu.memory_space<hbm>> -> memref<1x128xf32, #tpu.memory_space<hbm>>
    %dma_wait3A_651 = tpu.memref_squeeze %dma_wait3A_650 : memref<1x128xf32, #tpu.memory_space<hbm>> -> memref<128xf32, #tpu.memory_space<hbm>>
    %dma_wait3A_652 = tpu.memref_slice %arg6[%arg0, %add3A_32] : memref<2x4096xf32, #tpu.memory_space<hbm>> -> memref<1x128xf32, #tpu.memory_space<hbm>>
    %dma_wait3A_653 = tpu.memref_squeeze %dma_wait3A_652 : memref<1x128xf32, #tpu.memory_space<hbm>> -> memref<128xf32, #tpu.memory_space<hbm>>
    %dma_wait3A_654 = arith.constant 0 : i32
    %dma_wait3A_655 = tpu.memref_slice %arg13[%dma_wait3A_654] : memref<256xf32, #tpu.memory_space<vmem>> -> memref<128xf32, #tpu.memory_space<vmem>>
    tpu.wait_dma2 semaphore(%arg14 : memref<!tpu.dma_semaphore, #tpu.memory_space<semaphore_mem>>) src(%dma_wait3A_655 : memref<128xf32, #tpu.memory_space<vmem>>) dst(%dma_wait3A_653 : memref<128xf32, #tpu.memory_space<hbm>>)
    %dma_wait3A_656 = arith.constant 128 : i32
    %dma_wait3A_657 = tpu.memref_slice %arg13[%dma_wait3A_656] : memref<256xf32, #tpu.memory_space<vmem>> -> memref<128xf32, #tpu.memory_space<vmem>>
    %dma_wait3A_658 = tpu.memref_slice %arg6[%arg0, %add3A_639] : memref<2x4096xf32, #tpu.memory_space<hbm>> -> memref<1x128xf32, #tpu.memory_space<hbm>>
    %dma_wait3A_659 = tpu.memref_squeeze %dma_wait3A_658 : memref<1x128xf32, #tpu.memory_space<hbm>> -> memref<128xf32, #tpu.memory_space<hbm>>
    %dma_wait3A_660 = tpu.memref_slice %arg6[%arg0, %add3A_639] : memref<2x4096xf32, #tpu.memory_space<hbm>> -> memref<1x128xf32, #tpu.memory_space<hbm>>
    %dma_wait3A_661 = tpu.memref_squeeze %dma_wait3A_660 : memref<1x128xf32, #tpu.memory_space<hbm>> -> memref<128xf32, #tpu.memory_space<hbm>>
    %dma_wait3A_662 = arith.constant 128 : i32
    %dma_wait3A_663 = tpu.memref_slice %arg13[%dma_wait3A_662] : memref<256xf32, #tpu.memory_space<vmem>> -> memref<128xf32, #tpu.memory_space<vmem>>
    tpu.wait_dma2 semaphore(%arg14 : memref<!tpu.dma_semaphore, #tpu.memory_space<semaphore_mem>>) src(%dma_wait3A_663 : memref<128xf32, #tpu.memory_space<vmem>>) dst(%dma_wait3A_661 : memref<128xf32, #tpu.memory_space<hbm>>)
    return
  }
}

module attributes {stable_mosaic.version = 14 : i64} {
  func.func @_tc_blend_body(%arg0: i32, %arg1: i32, %arg2: memref<1x1024x1024xf32, #tpu.memory_space<vmem>>, %arg3: memref<1x1024x1xf32, #tpu.memory_space<vmem>>, %arg4: memref<1x1x4096xf32, #tpu.memory_space<vmem>>, %arg5: memref<1x4x4096xf32, #tpu.memory_space<vmem>>, %arg6: memref<1x1024x1024xf32, #tpu.memory_space<vmem>>) attributes {dimension_semantics = [#tpu.dimension_semantics<arbitrary>, #tpu.dimension_semantics<arbitrary>], iteration_bounds = array<i64: 2, 4>, scalar_prefetch = 0 : i64, scratch_operands = 0 : i64, tpu.core_type = #tpu.core_type<tc>, window_params = [{transform_indices = @transform_0, window_bounds = array<i64: 1, 1024, 1024>}, {transform_indices = @transform_1, window_bounds = array<i64: 1, 1024, 1>}, {transform_indices = @transform_2, window_bounds = array<i64: 1, 1, 4096>}, {transform_indices = @transform_3, window_bounds = array<i64: 1, 4, 4096>}, {transform_indices = @transform_4, window_bounds = array<i64: 1, 1024, 1024>}]} {
    %get3A = arith.constant 0 : index
    %get3A_0 = arith.constant 0 : index
    %get3A_1 = arith.constant 0 : index
    %get3A_2 = vector.load %arg4[%get3A, %get3A_0, %get3A_1] : memref<1x1x4096xf32, #tpu.memory_space<vmem>>, vector<1x1x4096xf32>
    %get3A_3 = vector.shape_cast %get3A_2 : vector<1x1x4096xf32> to vector<1x4096xf32>
    %get3A_4 = arith.constant 0 : index
    %get3A_5 = arith.constant 0 : index
    %get3A_6 = arith.constant 0 : index
    %get3A_7 = vector.load %arg5[%get3A_4, %get3A_5, %get3A_6] : memref<1x4x4096xf32, #tpu.memory_space<vmem>>, vector<1x4x4096xf32>
    %get3A_8 = vector.shape_cast %get3A_7 : vector<1x4x4096xf32> to vector<4x4096xf32>
    %sub3A = vector.broadcast %get3A_3 : vector<1x4096xf32> to vector<4x4096xf32>
    %sub3A_9 = arith.subf %get3A_8, %sub3A : vector<4x4096xf32>
    %abs3A = math.absf %sub3A_9 : vector<4x4096xf32>
    %reduce_sum3A = arith.constant dense<0.000000e+00> : vector<4xf32>
    %reduce_sum3A_10 = vector.multi_reduction <add>, %abs3A, %reduce_sum3A [1] : vector<4x4096xf32> to vector<4xf32>
    %broadcast_in_dim3A = vector.shape_cast %reduce_sum3A_10 : vector<4xf32> to vector<4x1xf32>
    %eq3A = arith.constant 0.000000e+00 : f32
    %eq3A_11 = vector.broadcast %eq3A : f32 to vector<4x1xf32>
    %eq3A_12 = arith.cmpf oeq, %broadcast_in_dim3A, %eq3A_11 : vector<4x1xf32>
    %jit3A = arith.constant 1.000000e+00 : f32
    %jit3A_13 = arith.constant 0.000000e+00 : f32
    %broadcast_in_dim3A_14 = vector.broadcast %jit3A : f32 to vector<4x1xf32>
    %broadcast_in_dim3A_15 = vector.broadcast %jit3A_13 : f32 to vector<4x1xf32>
    %select_n3A = arith.select %eq3A_12, %broadcast_in_dim3A_14, %broadcast_in_dim3A_15 : vector<4x1xi1>, vector<4x1xf32>
    %reduce_sum3A_16 = vector.shape_cast %select_n3A : vector<4x1xf32> to vector<1x4x1xf32>
    %reduce_sum3A_17 = arith.constant dense<0.000000e+00> : vector<1xf32>
    %reduce_sum3A_18 = vector.multi_reduction <add>, %reduce_sum3A_16, %reduce_sum3A_17 [1, 2] : vector<1x4x1xf32> to vector<1xf32>
    %reduce_sum3A_19 = vector.shape_cast %reduce_sum3A_18 : vector<1xf32> to vector<1x1x1xf32>
    %reduce_sum3A_20 = vector.extract %reduce_sum3A_19[0, 0, 0] : f32 from vector<1x1x1xf32>
    %add3A = arith.constant 1.000000e+00 : f32
    %add3A_21 = arith.addf %add3A, %reduce_sum3A_20 : f32
    %div3A = arith.constant 1.000000e+00 : f32
    %div3A_22 = arith.divf %div3A, %add3A_21 : f32
    %get3A_23 = arith.constant 0 : index
    %get3A_24 = arith.constant 0 : index
    %get3A_25 = arith.constant 0 : index
    %get3A_26 = vector.load %arg3[%get3A_23, %get3A_24, %get3A_25] : memref<1x1024x1xf32, #tpu.memory_space<vmem>>, vector<1x1024x1xf32>
    %get3A_27 = vector.shape_cast %get3A_26 : vector<1x1024x1xf32> to vector<1024x1xf32>
    %mul3A = vector.broadcast %div3A_22 : f32 to vector<1024x1xf32>
    %mul3A_28 = arith.mulf %get3A_27, %mul3A : vector<1024x1xf32>
    %sub3A_29 = vector.broadcast %div3A_22 : f32 to vector<1024x1xf32>
    %sub3A_30 = arith.subf %sub3A_29, %mul3A_28 : vector<1024x1xf32>
    %get3A_31 = arith.constant 0 : index
    %get3A_32 = arith.constant 0 : index
    %get3A_33 = arith.constant 0 : index
    %get3A_34 = vector.load %arg2[%get3A_31, %get3A_32, %get3A_33] : memref<1x1024x1024xf32, #tpu.memory_space<vmem>>, vector<1x1024x1024xf32>
    %get3A_35 = vector.shape_cast %get3A_34 : vector<1x1024x1024xf32> to vector<1024x1024xf32>
    %slice3A = vector.extract_strided_slice %sub3A_30 {offsets = [0, 0], sizes = [512, 1], strides = [1, 1]} : vector<1024x1xf32> to vector<512x1xf32>
    %slice3A_36 = vector.extract_strided_slice %get3A_35 {offsets = [0, 0], sizes = [512, 1024], strides = [1, 1]} : vector<1024x1024xf32> to vector<512x1024xf32>
    %mul3A_37 = vector.broadcast %slice3A : vector<512x1xf32> to vector<512x1024xf32>
    %mul3A_38 = arith.mulf %mul3A_37, %slice3A_36 : vector<512x1024xf32>
    %slice3A_39 = vector.extract_strided_slice %sub3A_30 {offsets = [512, 0], sizes = [512, 1], strides = [1, 1]} : vector<1024x1xf32> to vector<512x1xf32>
    %slice3A_40 = vector.extract_strided_slice %get3A_35 {offsets = [512, 0], sizes = [512, 1024], strides = [1, 1]} : vector<1024x1024xf32> to vector<512x1024xf32>
    %mul3A_41 = vector.broadcast %slice3A_39 : vector<512x1xf32> to vector<512x1024xf32>
    %mul3A_42 = arith.mulf %mul3A_41, %slice3A_40 : vector<512x1024xf32>
    %add3A_43 = arith.addf %mul3A_38, %mul3A_42 : vector<512x1024xf32>
    %swap3A = arith.constant 0 : index
    %swap3A_44 = arith.constant 0 : index
    %swap3A_45 = arith.constant 0 : index
    %swap3A_46 = vector.load %arg6[%swap3A, %swap3A_44, %swap3A_45] : memref<1x1024x1024xf32, #tpu.memory_space<vmem>>, vector<1x512x1024xf32>
    %swap3A_47 = vector.shape_cast %swap3A_46 : vector<1x512x1024xf32> to vector<512x1024xf32>
    %swap3A_48 = vector.shape_cast %add3A_43 : vector<512x1024xf32> to vector<1x512x1024xf32>
    tpu.vector_store %arg6[%swap3A, %swap3A_44, %swap3A_45], %swap3A_48 {strides = array<i32>} : memref<1x1024x1024xf32, #tpu.memory_space<vmem>>, vector<1x512x1024xf32>,
    %slice3A_49 = vector.extract_strided_slice %mul3A_28 {offsets = [0, 0], sizes = [512, 1], strides = [1, 1]} : vector<1024x1xf32> to vector<512x1xf32>
    %slice3A_50 = vector.extract_strided_slice %get3A_35 {offsets = [0, 0], sizes = [512, 1024], strides = [1, 1]} : vector<1024x1024xf32> to vector<512x1024xf32>
    %mul3A_51 = vector.broadcast %slice3A_49 : vector<512x1xf32> to vector<512x1024xf32>
    %mul3A_52 = arith.mulf %mul3A_51, %slice3A_50 : vector<512x1024xf32>
    %slice3A_53 = vector.extract_strided_slice %mul3A_28 {offsets = [512, 0], sizes = [512, 1], strides = [1, 1]} : vector<1024x1xf32> to vector<512x1xf32>
    %slice3A_54 = vector.extract_strided_slice %get3A_35 {offsets = [512, 0], sizes = [512, 1024], strides = [1, 1]} : vector<1024x1024xf32> to vector<512x1024xf32>
    %mul3A_55 = vector.broadcast %slice3A_53 : vector<512x1xf32> to vector<512x1024xf32>
    %mul3A_56 = arith.mulf %mul3A_55, %slice3A_54 : vector<512x1024xf32>
    %add3A_57 = arith.addf %mul3A_52, %mul3A_56 : vector<512x1024xf32>
    %swap3A_58 = arith.constant 0 : index
    %swap3A_59 = arith.constant 512 : index
    %swap3A_60 = arith.constant 0 : index
    %swap3A_61 = vector.load %arg6[%swap3A_58, %swap3A_59, %swap3A_60] : memref<1x1024x1024xf32, #tpu.memory_space<vmem>>, vector<1x512x1024xf32>
    %swap3A_62 = vector.shape_cast %swap3A_61 : vector<1x512x1024xf32> to vector<512x1024xf32>
    %swap3A_63 = vector.shape_cast %add3A_57 : vector<512x1024xf32> to vector<1x512x1024xf32>
    tpu.vector_store %arg6[%swap3A_58, %swap3A_59, %swap3A_60], %swap3A_63 {strides = array<i32>} : memref<1x1024x1024xf32, #tpu.memory_space<vmem>>, vector<1x512x1024xf32>,
    return
  }
  func.func @transform_0(%arg0: i32, %arg1: i32) -> (i32, i32, i32) {
    %c0_i32 = arith.constant 0 : i32
    %c0_i32_0 = arith.constant 0 : i32
    return %arg0, %arg1, %c0_i32 : i32, i32, i32
  }
  func.func @transform_1(%arg0: i32, %arg1: i32) -> (i32, i32, i32) {
    %c0_i32 = arith.constant 0 : i32
    %c0_i32_0 = arith.constant 0 : i32
    return %arg0, %arg1, %c0_i32 : i32, i32, i32
  }
  func.func @transform_2(%arg0: i32, %arg1: i32) -> (i32, i32, i32) {
    %c0_i32 = arith.constant 0 : i32
    %c0_i32_0 = arith.constant 0 : i32
    %c0_i32_1 = arith.constant 0 : i32
    return %arg0, %c0_i32, %c0_i32_0 : i32, i32, i32
  }
  func.func @transform_3(%arg0: i32, %arg1: i32) -> (i32, i32, i32) {
    %c0_i32 = arith.constant 0 : i32
    %c0_i32_0 = arith.constant 0 : i32
    %c0_i32_1 = arith.constant 0 : i32
    return %arg0, %c0_i32, %c0_i32_0 : i32, i32, i32
  }
  func.func @transform_4(%arg0: i32, %arg1: i32) -> (i32, i32, i32) {
    %c0_i32 = arith.constant 0 : i32
    %c0_i32_0 = arith.constant 0 : i32
    return %arg0, %arg1, %c0_i32 : i32, i32, i32
  }
}

</mosaic_0001>

<sc_bundles>
// kernel: kernel.4.cloned.1.call-start
scs
__scs_entry_jumppad:
0x0: {  	(pc) =	sbr.rel $0x88, $3  }
0x1: {  	(tag) =	ssettag $0x0;
	lr =	simm.s32 $0x1  }
0x2: {  	[smem:$0x3F9E] =	sst lr;
	_ =	strace $0xD0000000  }
0x3: {  	_ = 	snop  }
0x4: {  	_ = 	snop  }
0x5: {  	_ = 	snop  }
0x6: {  	_ = 	snop  }
0x7: {  	_ = 	snop  }
__scs_overlays_trampoline_lowered:
0x8: {  	[smem:$0x3FAD] =	sst s0  }
0x9: {  	[smem:$0x3FAE] =	sst s1  }
0xa: {  	[smem:$0x3FAF] =	sst s2  }
0xb: {  	[smem:$0x3FB0] =	sst s3  }
0xc: {  	[smem:$0x3FB1] =	sst s4  }
0xd: {  	[smem:$0x3FB2] =	sst s5  }
0xe: {  	[smem:$0x3FB3] =	sst s6  }
0xf: {  	[smem:$0x3FB4] =	sst s7  }
0x10: {  	[smem:$0x3FB5] =	sst s8  }
0x11: {  	[smem:$0x3FB6] =	sst s9;
	s0 =	simm.s32 @!p0 $0x0  }
0x12: {  	s1 =	sld [smem:$0x3F9C];
	s0 =	simm.s32 @p0 $0x1  }
0x13: {  	[smem:$0x3FB7] =	sst s0;
	s0 =	simm.s32 @!p1 $0x0  }
0x14: {  	s2 =	sld [smem:$0x3F9B];
	s0 =	simm.s32 @p1 $0x1  }
0x15: {  	[smem:$0x3FB8] =	sst s0;
	s0 =	simm.s32 @!p2 $0x0  }
0x16: {  	s3 =	sld [smem:$0x3FDB];
	s0 =	simm.s32 @p2 $0x1  }
0x17: {  	s4 =	simm.s32 $0x1BF5;
	[smem:$0x3FBA] =	sst s0  }
0x18: {  	s0 =	sld [smem:$0x3F9D];
	_ =	swait.ge [sflag:s4], $0x0  }
0x19: {  	s7 =	sld [smem:$0x3F9E]  }
0x1a: {  	s8 =	sadd.s32 $0xFFFFE003, lr  }
0x1b: {  	s9 =	sadd.s32 $0xFFFFFEF7, lr;
	s5 =	simm.s32 $0xFFFFFFFF;
	p2 =	slt.u32 s8, $0xFFFFF086  }
0x1c: {  	p1 =	slt.u32 s9, $0xF7A;
	s5 =	simm.s32 @!p2 $0x0  }
0x1d: {  	s5 =	simm.s32 @p1 $0x1;
	p0 =	seq.s32 s7, s2  }
0x1e: {  	s7 =	smul.u32 @!p0 $0xF7A, s2;
	p2 =	seq.s32 @!p0 s5, $0x0  }
0x1f: {  	s9 =	smul.u32 $0xF7A, s1;
	s8 =	simm.s32 @!p0 $0x1BF5;
	p2 =	por !p2, p0  }
0x20: {  	[sflag:s8] =	ssyncset.s32 @!p0 $0xFFFFF086;
	s6 =	sadd.s32 @!p0 s3, s7;
	s7 =	simm.s32 @!p0 $0x108  }
0x21: {  	s3 =	sadd.s32 s3, s9;
	s6 =	sadd.s32 @!p0 $0x88, s6;
	s7 =	simm.s32 @p2 $0x1082  }
0x22: {  	[simem:s7], [sflag:s8] =	dma.local @!p0 [hbm:s6], $0xF7A  }
0x23: {  	s9 =	sor.u32 $0xD0000000, s2;
	s6 =	simm.s32 $0x108;
	_ =	swait.ge @!p0 [sflag:s8], $0x0  }
0x24: {  	s3 =	sadd.s32 $0x88, s3;
	s6 =	simm.s32 @!p1 $0x1082;
	[sflag:s4] =	ssyncset.s32 $0xFFFFF086  }
0x25: {  	[simem:s6], [sflag:s4] =	dma.local [hbm:s3], $0xF7A  }
0x26: {  	[smem:$0x3F9E] =	sst s1;
	(tag) =	ssettag s2;
	_ =	strace s9  }
0x27: {  	s1 =	sld [smem:$0x3FAE]  }
0x28: {  	s2 =	sld [smem:$0x3FAF]  }
0x29: {  	s4 =	sld [smem:$0x3FB1]  }
0x2a: {  	p0 =	seq.s32 s5, $0x0;
	s5 =	sld [smem:$0x3FB2]  }
0x2b: {  	s6 =	sld [smem:$0x3FB3]  }
0x2c: {  	s7 =	sld [smem:$0x3FB4]  }
0x2d: {  	s3 =	simm.s32 $0x108;
	s8 =	sld [smem:$0x3FB5]  }
0x2e: {  	s3 =	simm.s32 @!p0 $0x1082;
	s9 =	sld [smem:$0x3FB6]  }
0x2f: {  	lr =	sadd.s32 s0, s3;
	s0 =	sld [smem:$0x3FAD]  }
0x30: {  	s3 =	sld [smem:$0x3FB0]  }
0x31: {  	[smem:$0x3FB9] =	sst s10  }
0x32: {  	s10 =	sld [smem:$0x3FB7];
	_ =	sdelay $0x3  }
0x33: {  	p0 =	seq.s32 s10, $0x1;
	s10 =	sld [smem:$0x3FB9];
	_ =	sdelay $0x3  }
0x34: {  	[smem:$0x3FB9] =	sst s10  }
0x35: {  	s10 =	sld [smem:$0x3FB8];
	_ =	sdelay $0x3  }
0x36: {  	p1 =	seq.s32 s10, $0x1;
	s10 =	sld [smem:$0x3FB9];
	_ =	sdelay $0x3  }
0x37: {  	[smem:$0x3FB9] =	sst s10  }
0x38: {  	s10 =	sld [smem:$0x3FBA]  }
0x39: {  	_ = 	snop;
	(pc) =	sbr.ind lr, $3  }
0x3a: {  	_ = 	snop  }
0x3b: {  	_ = 	snop  }
0x3c: {  	p2 =	seq.s32 s10, $0x1;
	s10 =	sld [smem:$0x3FB9]  }
0x3d: {  	_ =	shalt  }
0x3e: {  	_ =	shalt  }
0x3f: {  	_ =	shalt  }
0x40: {  	_ =	shalt  }
0x41: {  	_ =	shalt  }
0x42: {  	_ =	shalt  }
0x43: {  	_ =	shalt  }
0x44: {  	_ =	shalt  }
0x45: {  	_ =	shalt  }
0x46: {  	_ =	shalt  }
0x47: {  	_ =	shalt  }
0x48: {  	_ =	shalt  }
0x49: {  	_ =	shalt  }
0x4a: {  	_ =	shalt  }
0x4b: {  	_ =	shalt  }
0x4c: {  	_ =	shalt  }
0x4d: {  	_ =	shalt  }
0x4e: {  	_ =	shalt  }
0x4f: {  	_ =	shalt  }
0x50: {  	_ =	shalt  }
0x51: {  	_ =	shalt  }
0x52: {  	_ =	shalt  }
0x53: {  	_ =	shalt  }
0x54: {  	_ =	shalt  }
0x55: {  	_ =	shalt  }
0x56: {  	_ =	shalt  }
0x57: {  	_ =	shalt  }
0x58: {  	_ =	shalt  }
0x59: {  	_ =	shalt  }
0x5a: {  	_ =	shalt  }
0x5b: {  	_ =	shalt  }
0x5c: {  	_ =	shalt  }
0x5d: {  	_ =	shalt  }
0x5e: {  	_ =	shalt  }
0x5f: {  	_ =	shalt  }
0x60: {  	_ =	shalt  }
0x61: {  	_ =	shalt  }
0x62: {  	_ =	shalt  }
0x63: {  	_ =	shalt  }
0x64: {  	_ =	shalt  }
0x65: {  	_ =	shalt  }
0x66: {  	_ =	shalt  }
0x67: {  	_ =	shalt  }
0x68: {  	_ =	shalt  }
0x69: {  	_ =	shalt  }
0x6a: {  	_ =	shalt  }
0x6b: {  	_ =	shalt  }
0x6c: {  	_ =	shalt  }
0x6d: {  	_ =	shalt  }
0x6e: {  	_ =	shalt  }
0x6f: {  	_ =	shalt  }
0x70: {  	_ =	shalt  }
0x71: {  	_ =	shalt  }
0x72: {  	_ =	shalt  }
0x73: {  	_ =	shalt  }
0x74: {  	_ =	shalt  }
0x75: {  	_ =	shalt  }
0x76: {  	_ =	shalt  }
0x77: {  	_ =	shalt  }
0x78: {  	_ =	shalt  }
0x79: {  	_ =	shalt  }
0x7a: {  	_ =	shalt  }
0x7b: {  	_ =	shalt  }
0x7c: {  	_ =	shalt  }
0x7d: {  	_ =	shalt  }
0x7e: {  	_ =	shalt  }
0x7f: {  	_ =	shalt  }
0x80: {  	_ =	shalt  }
0x81: {  	_ =	shalt  }
0x82: {  	_ =	shalt  }
0x83: {  	_ =	shalt  }
0x84: {  	_ =	shalt  }
0x85: {  	_ =	shalt  }
0x86: {  	_ =	shalt  }
0x87: {  	_ =	shalt  }
.Lfunc_end0:
.L_simem_size_0:
called_computation_lowered:
.L_overlay_start_0:
0x88: {  	s2 =	sld [smem:$0x3FD9]  }
0x89: {  	s3 =	sld [smem:$0x3FFE];
	_ =	sdelay $0x1  }
0x8a: {  	s1 =	srdreg.scid  }
0x8b: {  	s0 =	sand.u32 $0x1, s1  }
0x8c: {  	s14 =	sshll.u32 s0, $0xA;
	s2 =	sadd.s32 s3, s2  }
0x8d: {  	s2 =	sadd.s32 s2, s14  }
0x8e: {  	[smem:$0x3FC5] =	sst s2  }
0x8f: {  	_ = 	snop  }
0x90: {  	s2 =	sld [smem:$0x3FD0];
	_ =	sdelay $0x1  }
0x91: {  	s15 =	sld [smem:$0x3FC8]  }
0x92: {  	s5 =	simm.s32 $0xA;
	s6 =	simm.s32 $0x10;
	s4 =	sld [smem:$0x3FC7]  }
0x93: {  	[smem:s6], [sflag:s5] =	dma.local [hbm:s2], $0x1  }
0x94: {  	_ =	swait.eq [sflag:s5], $0x1  }
0x95: {  	[sflag:s5] =	ssyncset.done $0x0  }
0x96: {  	[sflag:s5] =	ssyncadd.s32 $0xFFFFFFFF  }
0x97: {  	s16 =	sld [smem:$0x11];
	(tm) =	ssettm $0x1  }
0x98: {  	s17 =	sld [smem:$0x3FFB];
	_ =	sdelay $0x3  }
0x99: {  	_ =	strace s17  }
0x9a: {  	s5 =	sld [smem:$0x3FFC];
	_ =	sdelay $0x3  }
0x9b: {  	_ =	strace s5  }
0x9c: {  	s5 =	sld [smem:$0x3FFD];
	_ =	sdelay $0x3  }
0x9d: {  	_ =	strace s5  }
0x9e: {  	_ =	strace $0x8FFFFFFF  }
0x9f: {  	s18 =	sld [smem:$0x3FDB];
	_ =	sdelay $0x1  }
0xa0: {  	s19 =	simm.s32 $_scs_section_size  }
0xa1: {  	s7 =	simm.s32 $_size__tile_overlayer_lowered;
	s8 =	simm.s32 $_tile_overlayer_lowered  }
0xa2: {  	s22 =	simm.s32 $0x1BFF;
	s21 =	sshll.u32 s8, $0x1;
	s5 =	sadd.s32 s19, s18  }
0xa3: {  	s9 =	simm.s32 $0x0;
	s20 =	sshll.u32 s7, $0x1;
	s7 =	sadd.s32 s21, s5  }
0xa4: {  	[timem:s9], [sflag:s22] =	dma.local [hbm:s7], s20  }
0xa5: {  	_ =	swait.ge [sflag:s22], s20  }
0xa6: {  	s6 =	ssub.s32 $0x0, s20;
	[sflag:s22] =	ssyncset.done $0x0  }
0xa7: {  	[sflag:s22] =	ssyncadd.s32 s6;
	_ =	sdelay $0x1  }
0xa8: {  	s23 =	simm.s32 $0x1B8B  }
0xa9: {  	_ =	swait.ge [sflag:s23], $0x1  }
0xaa: {  	[sflag:s23] =	ssyncset.done $0x0  }
0xab: {  	s25 =	simm.s32 $0x1B8E;
	s24 =	sld [smem:$0x3FFE];
	[sflag:s23] =	ssyncadd.s32 $0xFFFFFFFF  }
0xac: {  	s26 =	simm.s32 $execute0_lowered;
	[smem:$0x3FD2] =	sst s25  }
0xad: {  	s7 =	sshll.u32 s26, $0x1;
	_ =	strace $0x80000046;
	[dreg:$0x1] =	wrdreg $0xFFFFFFFF  }
0xae: {  	s28 =	simm.s32 $_size_execute0_lowered;
	s5 =	sadd.s32 s5, s7;
	[dreg:$0x0] =	wrdreg $0x0  }
0xaf: {  	s7 =	sshll.u32 s28, $0x1;
	[dreg:$0x2] =	wrdreg s5  }
0xb0: {  	[dreg:$0x3] =	wrdreg s7  }
0xb1: {  	[dreg:$0x4] =	wrdreg $0xC0  }
0xb2: {  	_ =	task [dreg:s9], $0x5FFFF  }
0xb3: {  	[dreg:$0x1] =	wrdreg $0xFFFFFFFF  }
0xb4: {  	[dreg:$0x0] =	wrdreg $0x60  }
0xb5: {  	[dreg:$0x2] =	wrdreg s15  }
0xb6: {  	[dreg:$0x3] =	wrdreg s4  }
0xb7: {  	[dreg:$0x4] =	wrdreg s24  }
0xb8: {  	[dreg:$0x5] =	wrdreg s16  }
0xb9: {  	[dreg:$0x6] =	wrdreg $0x9  }
0xba: {  	_ =	task.clear_ibuf [dreg:s9], $0x7FFFF;
	_ =	strace $0x90000046  }
0xbb: {  	s29 =	simm.s32 $0x9;
	_ =	strace $0x80000048  }
0xbc: {  	_ =	swait.ge [sflag:s29], $0x1  }
0xbd: {  	[sflag:s29] =	ssyncadd.s32 $0xFFFFFFFF  }
0xbe: {  	_ =	strace $0x90000048  }
0xbf: {  	_ =	sfence  }
0xc0: {  	s30 =	sld [smem:$0x0];
	_ =	sdelay $0x2  }
0xc1: {  	s31 =	sshll.u32 s1, $0xD;
	s1 =	sshrl.u32 s1, $0x2  }
0xc2: {  	s3 =	sand.u32 $0x4000, s31;
	s1 =	sadd.s32 s1, s30  }
0xc3: {  	s0 =	sor.u32 s3, s0;
	s1 =	sshll.u32 s1, $0x11  }
0xc4: {  	s0 =	sor.u32 s1, s0  }
0xc5: {  	s0 =	sadd.s32 $0x8F2B, s0  }
0xc6: {  	[sflag:s0] =	ssyncadd.remote.s32 $0x1  }
0xc7: {  	_ =	sfence.sel $0xFFFF  }
0xc8: {  	[dreg:$0x0] =	wrdreg $0xFFFFFFFF;
	(pc) =	sbr.abs _section_cstart, $3  }
0xc9: {  	[dreg:$0x1] =	wrdreg $0xFFFFFFFF  }
0xca: {  	_ =	task.clear_ibuf [dreg:s9], $0x2FFFF;
	_ =	strace $0x9FFFFFFF  }
0xcb: {  	(tm) =	ssettm $0x7FFFFFFF  }
tec
execute0_lowered:
.L_overlay_start_1:
0x0: {  	(tag) =	ssettag $0x1  }
0x1: {  	s8 =	rddreg [dreg:$0x0]  }
0x2: {  	s6 =	rddreg [dreg:$0x1]  }
0x3: {  	s3 =	rddreg [dreg:$0x2]  }
0x4: {  	s10 =	rddreg [dreg:$0x3]  }
0x5: {  	s0 =	rddreg [dreg:$0x4];
	s1 =	simm.s32 $0x0  }
0x6: {  	s2 =	srdreg.scid;
	s14 =	simm.s32 $0x300;
	s15 =	simm.s32 $0x380  }
0x7: {  	s16 =	simm.s32 $0x400;
	s17 =	simm.s32 $0x1;
	s18 =	simm.s32 $0x480  }
0x8: {  	s19 =	simm.s32 $0x500;
	[smem:$0x7FF] =	sst s1;
	s4 =	sand.u32 $0x1, s2  }
0x9: {  	s2 =	stileid.u32;
	_ =	strace $0x80000047;
	s5 =	sshll.u32 s4, $0x4  }
0xa: {  	s9 =	sshll.u32 s2, $0x5;
	s11 =	sshll.u32 s2, $0x6;
	s12 =	ssub.s32 $0x2, s4  }
0xb: {  	s4 =	sshll.u32 s4, $0x6;
	s7 =	sadd.s32 s5, s3;
	s9 =	sand.u32 $0x60, s9  }
0xc: {  	s11 =	sand.u32 $0x300, s11;
	s13 =	sshrl.u32 s12, $0x1;
	s4 =	sadd.s32 s4, s3  }
0xd: {  	s9 =	sor.u32 s9, s11;
	s30 =	ssub.s32 s12, s13;
	s3 =	sadd.s32 $0x200, s7  }
0xe: {  	v0 =	vlaneseq.u32;
	s4 =	sadd.s32 $0x400, s4;
	s12 =	simm.s32 $0x80;
	s9 =	sor.u32 s5, s9  }
0xf: {  	v1 =	vimm.f32 $0.0e+00;
	v2 =	vor.u32 $0x10, v0;
	s13 =	simm.s32 $0x280;
	s11 =	smax.u32 s30, $0x1;
	s31 =	sor.u32 $0x80, s9  }
0x10: {  	v3 =	vor.u32 $0x20, v0;
	v4 =	vor.u32 $0x30, v0;
	v5 =	vor.u32 $0x40, v0;
	s5 =	sadd.s32 s6, s9;
	s7 =	sadd.s32 s8, s9;
	s9 =	sadd.s32 s10, s9  }
0x11: {  	v6 =	vor.u32 $0x50, v0;
	v7 =	vor.u32 $0x60, v0;
	v8 =	vor.u32 $0x70, v0;
	s6 =	sadd.s32 s6, s31;
	s8 =	sadd.s32 s8, s31;
	s10 =	sadd.s32 s10, s31  }
.LBB2_1:
0x12: {  	[tilespmem:s1], [sflag:$0x1] =	stream.linear.gather [hbm4b:s3+s1], $0x80, $0x38;
	[tilespmem:$0x580] =	vst v63  }
0x13: {  	_ = 	snop  }
0x14: {  	[tilespmem:s12], [sflag:$0x1] =	stream.linear.gather [hbm4b:s4+s1], $0x200, $0x38;
	[tilespmem:$0x580] =	vst v63  }
0x15: {  	_ = 	snop  }
0x16: {  	[tilespmem:s13], [sflag:$0x1] =	stream.linear.gather [hbm4b:s5+s1], $0x80, $0x38;
	[tilespmem:$0x580] =	vst v63  }
0x17: {  	_ = 	snop  }
0x18: {  	[tilespmem:s14], [sflag:$0x1] =	stream.linear.gather [hbm4b:s6+s1], $0x80, $0x38;
	[tilespmem:$0x580] =	vst v63  }
0x19: {  	_ = 	snop  }
0x1a: {  	[tilespmem:s15], [sflag:$0x1] =	stream.linear.gather [hbm4b:s7+s1], $0x80, $0x38;
	[tilespmem:$0x580] =	vst v63  }
0x1b: {  	_ = 	snop  }
0x1c: {  	[tilespmem:s16], [sflag:$0x1] =	stream.linear.gather [hbm4b:s8+s1], $0x80, $0x38;
	[tilespmem:$0x580] =	vst v63  }
0x1d: {  	_ =	swait.ge [sflag:s17], $0x80  }
0x1e: {  	[sflag:s17] =	ssyncset.done $0x0  }
0x1f: {  	[sflag:s17] =	ssyncadd.s32 $0xFFFFFF80  }
0x20: {  	_ =	swait.ge [sflag:s17], $0x200  }
0x21: {  	[sflag:s17] =	ssyncset.done $0x0  }
0x22: {  	[sflag:s17] =	ssyncadd.s32 $0xFFFFFE00  }
0x23: {  	_ =	swait.ge [sflag:s17], $0x80  }
0x24: {  	[sflag:s17] =	ssyncset.done $0x0  }
0x25: {  	[sflag:s17] =	ssyncadd.s32 $0xFFFFFF80  }
0x26: {  	_ =	swait.ge [sflag:s17], $0x80  }
0x27: {  	[sflag:s17] =	ssyncset.done $0x0  }
0x28: {  	[sflag:s17] =	ssyncadd.s32 $0xFFFFFF80  }
0x29: {  	_ =	swait.ge [sflag:s17], $0x80  }
0x2a: {  	[sflag:s17] =	ssyncset.done $0x0  }
0x2b: {  	[sflag:s17] =	ssyncadd.s32 $0xFFFFFF80  }
0x2c: {  	_ =	swait.ge [sflag:s17], $0x80  }
0x2d: {  	[sflag:s17] =	ssyncset.done $0x0  }
0x2e: {  	[sflag:s17] =	ssyncadd.s32 $0xFFFFFF80  }
0x2f: {  	v9 =	vld [tilespmem:$0x0]  }
0x30: {  	v10 =	vld [tilespmem:$0x80]  }
0x31: {  	v11 =	vld [tilespmem:$0x10]  }
0x32: {  	v12 =	vld [tilespmem:$0x90]  }
0x33: {  	v13 =	vld [tilespmem:$0x20]  }
0x34: {  	v14 =	vld [tilespmem:$0xA0]  }
0x35: {  	v15 =	vld [tilespmem:$0x30]  }
0x36: {  	v16 =	vld [tilespmem:$0xB0]  }
0x37: {  	v17 =	vld [tilespmem:$0x40]  }
0x38: {  	v18 =	vld [tilespmem:$0xC0]  }
0x39: {  	v19 =	vld [tilespmem:$0x50]  }
0x3a: {  	v20 =	vld [tilespmem:$0xD0]  }
0x3b: {  	v21 =	vld [tilespmem:$0x60]  }
0x3c: {  	v22 =	vld [tilespmem:$0xE0]  }
0x3d: {  	v23 =	vld [tilespmem:$0x70]  }
0x3e: {  	v24 =	vld [tilespmem:$0xF0]  }
0x3f: {  	v25 =	vld [tilespmem:$0x100]  }
0x40: {  	v26 =	vld [tilespmem:$0x110]  }
0x41: {  	v27 =	vld [tilespmem:$0x120]  }
0x42: {  	v28 =	vld [tilespmem:$0x130]  }
0x43: {  	v29 =	vld [tilespmem:$0x140]  }
0x44: {  	v30 =	vld [tilespmem:$0x150]  }
0x45: {  	v31 =	vld [tilespmem:$0x160]  }
0x46: {  	v47 =	vld [tilespmem:$0x180]  }
0x47: {  	v48 =	vld [tilespmem:$0x190]  }
0x48: {  	v54 =	vld [tilespmem:$0x1F0]  }
0x49: {  	v57 =	vld [tilespmem:$0x220];
	vm0 =	vne.s32 v9, v10  }
0x4a: {  	v50 =	vld [tilespmem:$0x1B0];
	vm1 =	vne.s32 v11, v12;
	vm14 =	vne.s32 v13, v14;
	vm2 =	vne.s32 v15, v16  }
0x4b: {  	v51 =	vld [tilespmem:$0x1C0];
	vm15 =	vne.s32 v17, v18;
	vm3 =	vne.s32 v19, v20;
	vm8 =	vne.s32 v21, v22  }
0x4c: {  	v56 =	vld [tilespmem:$0x210];
	vm4 =	vne.s32 v9, v25;
	vm9 =	vne.s32 v11, v26;
	vm5 =	vne.s32 v13, v27  }
0x4d: {  	v53 =	vld [tilespmem:$0x1E0];
	vm10 =	vne.s32 v15, v28;
	vm11 =	vne.s32 v17, v29;
	vm12 =	vne.s32 v19, v30  }
0x4e: {  	v49 =	vld [tilespmem:$0x1A0];
	vm13 =	vne.s32 v9, v47;
	vm6 =	vne.s32 v13, v57;
	vm7 =	vne.s32 v23, v54  }
0x4f: {  	v52 =	vld [tilespmem:$0x1D0];
	vm0 =	vmor vm0, vm1;
	vm1 =	vmor vm4, vm9;
	vm9 =	vne.s32 v15, v50  }
0x50: {  	v10 =	vld [tilespmem:$0x170];
	vm0 =	vmor vm0, vm14;
	vm1 =	vmor vm1, vm5;
	vm14 =	vne.s32 v11, v48  }
0x51: {  	v55 =	vld [tilespmem:$0x200];
	vm5 =	vne.s32 v11, v56;
	vm0 =	vmor vm0, vm2;
	vm1 =	vmor vm1, vm10  }
0x52: {  	v58 =	vld [tilespmem:$0x230];
	vm2 =	vmor vm13, vm14;
	vm10 =	vne.s32 v17, v51;
	vm14 =	vne.s32 v21, v53  }
0x53: {  	v59 =	vld [tilespmem:$0x250];
	vm0 =	vmor vm0, vm15;
	vm1 =	vmor vm1, vm11;
	vm15 =	vne.s32 v13, v49  }
0x54: {  	vm11 =	vne.s32 v23, v24;
	vm0 =	vmor vm0, vm3;
	vm1 =	vmor vm1, vm12  }
0x55: {  	v11 =	vld [tilespmem:$0x260];
	vm2 =	vmor vm2, vm15;
	vm12 =	vne.s32 v19, v52;
	vm13 =	vne.s32 v23, v10  }
0x56: {  	v10 =	vld [tilespmem:$0x240];
	vm0 =	vmor vm0, vm8;
	vm8 =	vne.s32 v21, v31;
	vm2 =	vmor vm2, vm9  }
0x57: {  	v61 =	vld [tilespmem:$0x270];
	vm15 =	vne.s32 v9, v55;
	vm1 =	vmor vm1, vm8;
	vm2 =	vmor vm2, vm10  }
0x58: {  	vm0 =	vmor vm0, vm11;
	vm8 =	vne.s32 v15, v58;
	vm11 =	vne.s32 v19, v59  }
0x59: {  	vm2 =	vmor vm2, vm12;
	v9 =	vmpcnt.ones.xlane vm0;
	vm0 =	vmor vm15, vm5  }
0x5a: {  	vm1 =	vmor vm1, vm13;
	vm12 =	vne.s32 v21, v11;
	vm0 =	vmor vm0, vm6  }
0x5b: {  	vm2 =	vmor vm2, vm14;
	vm0 =	vmor vm0, vm8;
	vm9 =	vne.s32 v17, v10  }
0x5c: {  	v60 =	vmpcnt.ones.xlane vm1;
	vm14 =	vne.s32 v23, v61;
	vm0 =	vmor vm0, vm9  }
0x5d: {  	vm2 =	vmor vm2, vm7;
	vm10 =	veq.s32 v9, $0x0;
	vm0 =	vmor vm0, vm11  }
0x5e: {  	v9 =	vmpcnt.ones.xlane vm2;
	vm13 =	veq.s32 v60, $0x0;
	vm0 =	vmor vm0, vm12  }
0x5f: {  	v10 =	vsel vm10, $0x3F800000, v1;
	v11 =	vsel vm13, $0x3F800000, v1;
	vm0 =	vmor vm0, vm14  }
0x60: {  	v10 =	vadd.f32 v11, v10;
	vm15 =	veq.s32 v9, $0x0;
	v9 =	vmpcnt.ones.xlane vm0  }
0x61: {  	v11 =	vsel vm15, $0x3F800000, v1  }
0x62: {  	v10 =	vadd.f32 v11, v10;
	vm0 =	veq.s32 v9, $0x0  }
0x63: {  	v9 =	vsel vm0, $0x3F800000, v1  }
0x64: {  	[tilespmem:$0x480] =	vst v1;
	v9 =	vadd.f32 v9, v10  }
0x65: {  	[tilespmem:$0x490] =	vst v1  }
0x66: {  	[tilespmem:$0x4A0] =	vst v1;
	v10 =	vld [tilespmem:$0x280];
	v9 =	vadd.f32 $1.000000000e+00, v9  }
0x67: {  	[tilespmem:$0x4B0] =	vst v1;
	v11 =	vld [tilespmem:$0x300]  }
0x68: {  	[tilespmem:$0x4C0] =	vst v1;
	(erf) = vrcp.f32 v9  }
0x69: {  	[tilespmem:$0x4D0] =	vst v1  }
0x6a: {  	[tilespmem:$0x4E0] =	vst v1  }
0x6b: {  	[tilespmem:$0x4F0] =	vst v1;
	v9 =	vtrunc.f32 v10  }
0x6c: {  	[tilespmem:$0x500] =	vst v1;
	v10 =	vtrunc.f32 v11;
	v9 =	vcvt.f32.s32 v9  }
0x6d: {  	[tilespmem:$0x510] =	vst v1;
	v11 =	vld [tilespmem:$0x380];
	v10 =	vcvt.f32.s32 v10  }
0x6e: {  	[tilespmem:$0x520] =	vst v1;
	v62 =	vld [tilespmem:$0x400];
	v9 =	vshll.u32 v9, $0x7  }
0x6f: {  	[tilespmem:$0x530] =	vst v1;
	v10 =	vshll.u32 v10, $0x7;
	v9 =	vor.u32 v0, v9  }
0x70: {  	[tilespmem:$0x540] =	vst v1;
	v10 =	vor.u32 v0, v10  }
0x71: {  	[tilespmem:$0x550] =	vst v1;
	v63 =	vpop (erf)  }
0x72: {  	[tilespmem:$0x560] =	vst v1;
	v11 =	vmul.f32 v11, v63  }
0x73: {  	[tilespmem:$0x570] =	vst v1;
	v12 =	vmul.f32 v62, v63  }
0x74: {  	[tilespmem:v9+s18+$0x0] =	vst.idx.add.f32.msk $0xffff, v11  }
0x75: {  	[tilespmem:v10+s18+$0x0] =	vst.idx.add.f32.msk $0xffff, v12  }
0x76: {  	v9 =	vld [tilespmem:$0x290]  }
0x77: {  	v10 =	vld [tilespmem:$0x310];
	_ =	sdelay $0x3  }
0x78: {  	v9 =	vtrunc.f32 v9  }
0x79: {  	v10 =	vtrunc.f32 v10;
	v9 =	vcvt.f32.s32 v9  }
0x7a: {  	v11 =	vld [tilespmem:$0x390];
	v10 =	vcvt.f32.s32 v10  }
0x7b: {  	v12 =	vld [tilespmem:$0x410];
	v9 =	vshll.u32 v9, $0x7  }
0x7c: {  	v10 =	vshll.u32 v10, $0x7;
	v9 =	vor.u32 v2, v9  }
0x7d: {  	v10 =	vor.u32 v2, v10;
	_ =	sdelay $0x1  }
0x7e: {  	v11 =	vmul.f32 v11, v63  }
0x7f: {  	v12 =	vmul.f32 v12, v63  }
0x80: {  	[tilespmem:v9+s18+$0x0] =	vst.idx.add.f32.msk $0xffff, v11  }
0x81: {  	[tilespmem:v10+s18+$0x0] =	vst.idx.add.f32.msk $0xffff, v12  }
0x82: {  	v9 =	vld [tilespmem:$0x2A0]  }
0x83: {  	v10 =	vld [tilespmem:$0x320];
	_ =	sdelay $0x3  }
0x84: {  	v9 =	vtrunc.f32 v9  }
0x85: {  	v10 =	vtrunc.f32 v10;
	v9 =	vcvt.f32.s32 v9  }
0x86: {  	v11 =	vld [tilespmem:$0x3A0];
	v10 =	vcvt.f32.s32 v10  }
0x87: {  	v12 =	vld [tilespmem:$0x420];
	v9 =	vshll.u32 v9, $0x7  }
0x88: {  	v10 =	vshll.u32 v10, $0x7;
	v9 =	vor.u32 v3, v9  }
0x89: {  	v10 =	vor.u32 v3, v10;
	_ =	sdelay $0x1  }
0x8a: {  	v11 =	vmul.f32 v11, v63  }
0x8b: {  	v12 =	vmul.f32 v12, v63  }
0x8c: {  	[tilespmem:v9+s18+$0x0] =	vst.idx.add.f32.msk $0xffff, v11  }
0x8d: {  	[tilespmem:v10+s18+$0x0] =	vst.idx.add.f32.msk $0xffff, v12  }
0x8e: {  	v9 =	vld [tilespmem:$0x2B0]  }
0x8f: {  	v10 =	vld [tilespmem:$0x330];
	_ =	sdelay $0x3  }
0x90: {  	v9 =	vtrunc.f32 v9  }
0x91: {  	v10 =	vtrunc.f32 v10;
	v9 =	vcvt.f32.s32 v9  }
0x92: {  	v11 =	vld [tilespmem:$0x3B0];
	v10 =	vcvt.f32.s32 v10  }
0x93: {  	v12 =	vld [tilespmem:$0x430];
	v9 =	vshll.u32 v9, $0x7  }
0x94: {  	v10 =	vshll.u32 v10, $0x7;
	v9 =	vor.u32 v4, v9  }
0x95: {  	v10 =	vor.u32 v4, v10;
	_ =	sdelay $0x1  }
0x96: {  	v11 =	vmul.f32 v11, v63  }
0x97: {  	v12 =	vmul.f32 v12, v63  }
0x98: {  	[tilespmem:v9+s18+$0x0] =	vst.idx.add.f32.msk $0xffff, v11  }
0x99: {  	[tilespmem:v10+s18+$0x0] =	vst.idx.add.f32.msk $0xffff, v12  }
0x9a: {  	v9 =	vld [tilespmem:$0x2C0]  }
0x9b: {  	v10 =	vld [tilespmem:$0x340];
	_ =	sdelay $0x3  }
0x9c: {  	v9 =	vtrunc.f32 v9  }
0x9d: {  	v10 =	vtrunc.f32 v10;
	v9 =	vcvt.f32.s32 v9  }
0x9e: {  	v11 =	vld [tilespmem:$0x3C0];
	v10 =	vcvt.f32.s32 v10  }
0x9f: {  	v12 =	vld [tilespmem:$0x440];
	v9 =	vshll.u32 v9, $0x7  }
0xa0: {  	v10 =	vshll.u32 v10, $0x7;
	v9 =	vor.u32 v5, v9  }
0xa1: {  	v10 =	vor.u32 v5, v10;
	_ =	sdelay $0x1  }
0xa2: {  	v11 =	vmul.f32 v11, v63  }
0xa3: {  	v12 =	vmul.f32 v12, v63  }
0xa4: {  	[tilespmem:v9+s18+$0x0] =	vst.idx.add.f32.msk $0xffff, v11  }
0xa5: {  	[tilespmem:v10+s18+$0x0] =	vst.idx.add.f32.msk $0xffff, v12  }
0xa6: {  	v9 =	vld [tilespmem:$0x2D0]  }
0xa7: {  	v10 =	vld [tilespmem:$0x350];
	_ =	sdelay $0x3  }
0xa8: {  	v9 =	vtrunc.f32 v9  }
0xa9: {  	v10 =	vtrunc.f32 v10;
	v9 =	vcvt.f32.s32 v9  }
0xaa: {  	v11 =	vld [tilespmem:$0x3D0];
	v10 =	vcvt.f32.s32 v10  }
0xab: {  	v12 =	vld [tilespmem:$0x450];
	v9 =	vshll.u32 v9, $0x7  }
0xac: {  	v10 =	vshll.u32 v10, $0x7;
	v9 =	vor.u32 v6, v9  }
0xad: {  	v10 =	vor.u32 v6, v10;
	_ =	sdelay $0x1  }
0xae: {  	v11 =	vmul.f32 v11, v63  }
0xaf: {  	v12 =	vmul.f32 v12, v63  }
0xb0: {  	[tilespmem:v9+s18+$0x0] =	vst.idx.add.f32.msk $0xffff, v11  }
0xb1: {  	[tilespmem:v10+s18+$0x0] =	vst.idx.add.f32.msk $0xffff, v12  }
0xb2: {  	v9 =	vld [tilespmem:$0x2E0]  }
0xb3: {  	v10 =	vld [tilespmem:$0x360];
	_ =	sdelay $0x3  }
0xb4: {  	v9 =	vtrunc.f32 v9  }
0xb5: {  	v10 =	vtrunc.f32 v10;
	v9 =	vcvt.f32.s32 v9  }
0xb6: {  	v11 =	vld [tilespmem:$0x3E0];
	v10 =	vcvt.f32.s32 v10  }
0xb7: {  	v12 =	vld [tilespmem:$0x460];
	v9 =	vshll.u32 v9, $0x7  }
0xb8: {  	v10 =	vshll.u32 v10, $0x7;
	v9 =	vor.u32 v7, v9  }
0xb9: {  	v10 =	vor.u32 v7, v10;
	_ =	sdelay $0x1  }
0xba: {  	v11 =	vmul.f32 v11, v63  }
0xbb: {  	v12 =	vmul.f32 v12, v63  }
0xbc: {  	[tilespmem:v9+s18+$0x0] =	vst.idx.add.f32.msk $0xffff, v11  }
0xbd: {  	[tilespmem:v10+s18+$0x0] =	vst.idx.add.f32.msk $0xffff, v12  }
0xbe: {  	v9 =	vld [tilespmem:$0x2F0]  }
0xbf: {  	v10 =	vld [tilespmem:$0x370];
	_ =	sdelay $0x3  }
0xc0: {  	v9 =	vtrunc.f32 v9  }
0xc1: {  	v10 =	vtrunc.f32 v10;
	v9 =	vcvt.f32.s32 v9  }
0xc2: {  	v11 =	vld [tilespmem:$0x3F0];
	v10 =	vcvt.f32.s32 v10  }
0xc3: {  	v12 =	vld [tilespmem:$0x470];
	v9 =	vshll.u32 v9, $0x7  }
0xc4: {  	v10 =	vshll.u32 v10, $0x7;
	v9 =	vor.u32 v8, v9  }
0xc5: {  	v10 =	vor.u32 v8, v10;
	_ =	sdelay $0x1  }
0xc6: {  	v11 =	vmul.f32 v11, v63  }
0xc7: {  	v12 =	vmul.f32 v12, v63  }
0xc8: {  	[tilespmem:v9+s18+$0x0] =	vst.idx.add.f32.msk $0xffff, v11  }
0xc9: {  	[tilespmem:v10+s18+$0x0] =	vst.idx.add.f32.msk $0xffff, v12  }
0xca: {  	[hbm4b:s9+s1] =	stream.linear.scatter [tilespmem:s18], [sflag:$0x1], $0x80, $0x38;
	[tilespmem:$0x580] =	vst v63  }
0xcb: {  	_ = 	snop  }
0xcc: {  	[hbm4b:s10+s1] =	stream.linear.scatter [tilespmem:s19], [sflag:$0x1], $0x80, $0x38;
	[tilespmem:$0x580] =	vst v63  }
0xcd: {  	p0 =	sne.s32 s11, $0x1;
	_ =	swait.ge [sflag:s17], $0x80  }
.Ltmp0:
0xce: {  	[sflag:s17] =	ssyncset.done $0x0;
	(pc) =	sbr.rel @p0 .LBB2_1-.Ltmp0, $4  }
0xcf: {  	[sflag:s17] =	ssyncadd.s32 $0xFFFFFF80  }
0xd0: {  	_ =	swait.ge [sflag:s17], $0x80  }
0xd1: {  	[sflag:s17] =	ssyncset.done $0x0  }
0xd2: {  	s11 =	sadd.s32 $0xFFFFFFFF, s11;
	[sflag:s17] =	ssyncadd.s32 $0xFFFFFF80  }
0xd3: {  	_ =	sfence.sel $0x180000  }
0xd4: {  	[bflag:$0x0] =	sbarrier.arrive $0xFFFF  }
0xd5: {  	p0 =	sne.s32 s2, $0x0;
	_ =	strace $0x90000047  }
0xd6: {  	s0 =	sadd.s32 @!p0 $0x100000, s0;
	[bflag:$0x2] =	sbarrier.arrive $0xFFFF  }
0xd7: {  	[sflag:s0] =	ssyncadd.tile.s32 @!p0 $0x1;
	_ =	shalt  }
.Lfunc_end2:
_tile_overlayer_lowered:
.L_overlay_start_2:
0xd8: {  	(tag) =	ssettag $0x2  }
0xd9: {  	s0 =	rddreg [dreg:$0x0];
	s2 =	stileid.u32  }
0xda: {  	s1 =	rddreg [dreg:$0x1];
	p0 =	sne.s32 s2, $0x0  }
0xdb: {  	s3 =	rddreg [dreg:$0x2];
	[bflag:$0x3] =	sbarrier.arrive $0xFFFF;
	s2 =	simm.s32 @!p0 $0x1C02  }
0xdc: {  	[timem:s3], [sflag:s2] =	dma.local @!p0 [hbm:s0], s1  }
0xdd: {  	s0 =	simm.s32 @!p0 $0x2  }
0xde: {  	_ =	swait.ge @!p0 [sflag:s0], s1  }
0xdf: {  	s1 =	ssub.s32 @!p0 $0x0, s1;
	[sflag:s0] =	ssyncset.done @!p0 $0x0  }
0xe0: {  	[sflag:s0] =	ssyncadd.s32 @!p0 s1  }
0xe1: {  	[bflag:$0x3] =	sbarrier.arrive $0xFFFF  }
0xe2: {  	_ =	shalt  }

</sc_bundles>
